<compile_context>
chip_gen: v7x
topology: tpu7x:2x2x1
jax: 0.10.2.dev20260603
libtpu: 0.0.44.dev20260713+nightly
codegen_flags: <defaults>
</compile_context>

<pallas_src>
import jax
import jax.numpy as jnp
from jax import lax
from jax.experimental import pallas as pl
from jax.experimental.pallas import tpu as pltpu
from jax.experimental.pallas import tpu_sc as plsc

B = 256
NPG = 111
EPG = NPG * 16
D1 = 111
D2 = 128
NHID = 256
K1 = 56
K2 = 28
AP = 112
AFLAT = NPG * AP

_NW = 32
_GPW = B // _NW


def _adj_body(src_hbm, dst_hbm, out_hbm, src_v, dst_v, acc_v):
  wid = lax.axis_index("s") * 2 + lax.axis_index("c")

  def per_graph(i, carry):
    g = wid * _GPW + i

    def zero(t, c2):
      for u in range(7):
        acc_v[t, pl.ds(u * 16, 16)] = jnp.zeros((16,), jnp.float32)
      return c2

    lax.fori_loop(0, NPG, zero, carry)

    pltpu.sync_copy(src_hbm.at[g], src_v)
    pltpu.sync_copy(dst_hbm.at[g], dst_v)

    def edges(j, c2):
      sl = src_v[pl.ds(j * 16, 16)]
      dl = dst_v[pl.ds(j * 16, 16)]
      plsc.addupdate_scatter(acc_v, [dl, sl], jnp.ones((16,), jnp.float32))
      return c2

    lax.fori_loop(0, EPG // 16, edges, carry)
    pltpu.sync_copy(acc_v, out_hbm.at[g])
    return carry

  lax.fori_loop(0, _GPW, per_graph, 0)


def _topk_select(score, n, k, lt, le):
  f32 = jnp.float32
  score_row = jnp.transpose(score)
  beats = (score_row > score) | ((score_row == score) & lt)
  rank = jnp.sum(beats.astype(f32), axis=1, keepdims=True)
  maskf = (rank < float(k)).astype(f32)
  npos = jnp.dot(le, maskf, preferred_element_type=f32) - 1.0
  pp = lax.broadcasted_iota(jnp.int32, (n, k), 1)
  npos_i = npos.astype(jnp.int32)
  return ((npos_i == pp) & (maskf > 0.0)).astype(f32)


GPP = 8


def _lt_mat(n):
  ii = lax.broadcasted_iota(jnp.int32, (n, n), 0)
  jj = lax.broadcasted_iota(jnp.int32, (n, n), 1)
  return jj < ii, (jj <= ii).astype(jnp.float32)


def _gnn_body(x_ref, a_ref, w1_ref, w2_ref, h3_ref, x3_ref):
  f32 = jnp.float32
  W1 = w1_ref[0]
  W2 = w2_ref[0]
  lt1 = _lt_mat(NPG)
  lt2 = _lt_mat(K1)
  hall = jnp.dot(
      x_ref[...].reshape(GPP * NPG, D1), W1, preferred_element_type=f32
  )
  hks, a2s, x1s = [], [], []
  for g in range(GPP):
    hk, A2, x1 = _stage1(hall[g * NPG : (g + 1) * NPG], a_ref[g][:, :NPG], lt1)
    hks.append(hk)
    a2s.append(A2)
    x1s.append(x1)
  g2all = jnp.dot(
      jnp.concatenate(hks, axis=0), W2, preferred_element_type=f32
  )
  for g in range(GPP):
    h3, x3 = _stage2(
        g2all[g * K1 : (g + 1) * K1], a2s[g], x1s[g], lt2
    )
    h3_ref[g] = h3
    x3_ref[g] = x3


def _stage1(h, A, lt1):
  f32 = jnp.float32
  hp = lax.Precision.HIGHEST

  rs = jnp.sum(A, axis=1, keepdims=True)
  dinv = lax.rsqrt(rs + 1.0)
  hs = dinv * h
  u = jnp.dot(A, hs, preferred_element_type=f32, precision=hp) + hs
  h1 = jnp.maximum(dinv * u, 0.0)

  agg = jnp.dot(A, h1, preferred_element_type=f32, precision=hp) / (
      rs + 1e-10
  )
  score = jnp.sum(jnp.abs(h1 - agg), axis=1, keepdims=True)

  S1T = _topk_select(score, NPG, K1, *lt1)
  AS = jnp.dot(A, S1T, preferred_element_type=f32, precision=hp)
  hkA2 = lax.dot_general(
      S1T,
      jnp.concatenate([h1, AS], axis=1),
      (((0,), (0,)), ((), ())),
      preferred_element_type=f32,
      precision=hp,
  )
  hk = hkA2[:, :D2]
  A2 = hkA2[:, D2:]

  x1 = jnp.concatenate(
      [
          jnp.max(hk, axis=0, keepdims=True),
          jnp.mean(hk, axis=0, keepdims=True),
      ],
      axis=1,
  )
  return hk, A2, x1


def _stage2(g2, A2, x1, lt2):
  f32 = jnp.float32
  hp = lax.Precision.HIGHEST

  rs2 = jnp.sum(A2, axis=1, keepdims=True)
  dinv2 = lax.rsqrt(rs2 + 1.0)
  gs = dinv2 * g2
  u2 = jnp.dot(A2, gs, preferred_element_type=f32, precision=hp) + gs
  h2 = jnp.maximum(dinv2 * u2, 0.0)

  agg2 = jnp.dot(A2, h2, preferred_element_type=f32, precision=hp) / (
      rs2 + 1e-10
  )
  score2 = jnp.sum(jnp.abs(h2 - agg2), axis=1, keepdims=True)

  S2T = _topk_select(score2, K1, K2, *lt2)
  h3 = lax.dot_general(
      S2T, h2, (((0,), (0,)), ((), ())), preferred_element_type=f32,
      precision=hp,
  )

  x2 = jnp.concatenate(
      [
          jnp.max(h3, axis=0, keepdims=True),
          jnp.mean(h3, axis=0, keepdims=True),
      ],
      axis=1,
  )

  return h3, jnp.maximum(x1, 0.0) + jnp.maximum(x2, 0.0)


def _head_body(
    xf_ref, x3_ref, w1a_ref, w1b_ref, b1_ref, g_ref, bb_ref, w3_ref, b3_ref,
    out_ref,
):
  f32 = jnp.float32
  xf = jnp.maximum(xf_ref[...], 0.0)
  xc = jnp.concatenate([xf, x3_ref[...]], axis=1)
  w1 = jnp.concatenate([w1a_ref[...], w1b_ref[...]], axis=0)
  pre = jnp.dot(xc, w1, preferred_element_type=f32) + b1_ref[...]
  feats = jnp.maximum(pre, 0.0)
  mu = jnp.mean(feats, axis=0, keepdims=True)
  var = jnp.mean((feats - mu) ** 2, axis=0, keepdims=True)
  normed = (feats - mu) * lax.rsqrt(var + 1e-5) * g_ref[...] + bb_ref[...]
  out_ref[...] = (
      jnp.dot(normed, w3_ref[...], preferred_element_type=f32) + b3_ref[...]
  )


def kernel(x, edge_index, W1, W2, lin1_w, lin1_b, bn_g, bn_b, lin3_w, lin3_b):
  off = (jnp.arange(B, dtype=jnp.int32) * NPG)[:, None]
  srcl = edge_index[0].reshape(B, EPG) - off
  dstl = edge_index[1].reshape(B, EPG) - off

  A = pl.kernel(
      _adj_body,
      out_type=jax.ShapeDtypeStruct((B, NPG, AP), jnp.float32),
      mesh=plsc.VectorSubcoreMesh(core_axis_name="c", subcore_axis_name="s"),
      scratch_types=[
          pltpu.VMEM((EPG,), jnp.int32),
          pltpu.VMEM((EPG,), jnp.int32),
          pltpu.VMEM((NPG, AP), jnp.float32),
      ],
      compiler_params=pltpu.CompilerParams(needs_layout_passes=False),
  )(srcl, dstl)

  xg = x.reshape(B, NPG, D1)
  h3, x3 = pl.pallas_call(
      _gnn_body,
      grid=(B // GPP,),
      in_specs=[
          pl.BlockSpec((GPP, NPG, D1), lambda i: (i, 0, 0)),
          pl.BlockSpec((GPP, NPG, AP), lambda i: (i, 0, 0)),
          pl.BlockSpec((1, D1, D2), lambda i: (0, 0, 0)),
          pl.BlockSpec((1, D2, D2), lambda i: (0, 0, 0)),
      ],
      out_specs=[
          pl.BlockSpec((GPP, K2, D2), lambda i: (i, 0, 0)),
          pl.BlockSpec((GPP, 1, NHID), lambda i: (i, 0, 0)),
      ],
      out_shape=[
          jax.ShapeDtypeStruct((B, K2, D2), jnp.float32),
          jax.ShapeDtypeStruct((B, 1, NHID), jnp.float32),
      ],
      compiler_params=pltpu.CompilerParams(
          dimension_semantics=("arbitrary",)
      ),
  )(xg, A, W1.reshape(1, D1, D2), W2.reshape(1, D2, D2))

  xf = h3.reshape(B, K2 * D2)
  x3 = x3.reshape(B, NHID)

  out = pl.pallas_call(
      _head_body,
      out_shape=jax.ShapeDtypeStruct((B, 128), jnp.float32),
  )(
      xf,
      x3,
      lin1_w[: K2 * D2],
      lin1_w[K2 * D2 :],
      lin1_b.reshape(1, NHID),
      bn_g.reshape(1, NHID),
      bn_b.reshape(1, NHID),
      jnp.pad(lin3_w, ((0, 0), (0, 127))),
      jnp.pad(lin3_b.reshape(1, 1), ((0, 0), (0, 127))),
  )
  return out[:, 0]

# --- scband reference (transcript-rebuilt; emitter-appended) ---
"""Pipeline reference for scband-mybraingnn-68771016344261 (READ-ONLY COPY).

The authoritative reference and input builder live on the scoring server;
editing this copy changes nothing except your own understanding.
"""

import jax, jax.numpy as jnp
import numpy as np

B = 256
NPG = 111
N = B * NPG
DEG = 16
EPG = NPG * DEG
E = B * EPG
D1 = 111
D2 = 128
NHID = 256
K1 = 56
K2 = 28
DIM4 = (K2 + 2) * D2


def setup_inputs(seed: int = 0):
    key = jax.random.key(seed)
    ks = jax.random.split(key, 10)
    x = jax.random.normal(ks[0], (N, D1), dtype=jnp.float32)
    src = jax.random.randint(ks[1], (B, EPG), 0, NPG)
    dst = jax.random.randint(ks[2], (B, EPG), 0, NPG)
    off = (jnp.arange(B) * NPG)[:, None]
    edge_index = jnp.stack([(src + off).reshape(-1), (dst + off).reshape(-1)]).astype(jnp.int32)
    W1 = jax.random.normal(ks[3], (D1, D2), dtype=jnp.float32) * 0.05
    W2 = jax.random.normal(ks[4], (D2, D2), dtype=jnp.float32) * 0.05
    lin1_w = jax.random.normal(ks[5], (DIM4, NHID), dtype=jnp.float32) * 0.02
    lin1_b = jnp.zeros((NHID,), dtype=jnp.float32)
    bn_g = jnp.ones((NHID,), dtype=jnp.float32)
    bn_b = jnp.zeros((NHID,), dtype=jnp.float32)
    lin3_w = jax.random.normal(ks[6], (NHID, 1), dtype=jnp.float32) * 0.02
    lin3_b = jnp.zeros((1,), dtype=jnp.float32)
    return {"x": x, "edge_index": edge_index, "W1": W1, "W2": W2, "lin1_w": lin1_w, "lin1_b": lin1_b, "bn_g": bn_g, "bn_b": bn_b, "lin3_w": lin3_w, "lin3_b": lin3_b}


def _gcn(x, src, dst, ew, W, n):
    # GCNConv: out = D^{-1/2} (A+I) D^{-1/2} x W with edge weights
    loop = jnp.arange(n)
    s = jnp.concatenate([src, loop])
    d = jnp.concatenate([dst, loop])
    w = jnp.concatenate([ew, jnp.ones((n,), x.dtype)])
    deg = jnp.zeros((n,), x.dtype).at[d].add(w)
    dinv = jnp.where(deg > 0, jax.lax.rsqrt(jnp.maximum(deg, 1e-12)), 0.0)
    norm = dinv[s] * dinv[d] * w
    h = x @ W
    out = jnp.zeros((n, h.shape[1]), x.dtype).at[d].add(h[s] * norm[:, None])
    return out


def _pool(x, src, dst, ew, n, npg, k):
    # HGPSL pool (sample=True, sparse=True, sl=False):
    # node information score = ||x - D^{-1} A x||_1, top-k per graph, induced subgraph
    b = n // npg
    deg = jnp.zeros((n,), x.dtype).at[dst].add(ew) + 1e-10
    agg = jnp.zeros_like(x).at[dst].add(ew[:, None] * x[src]) / deg[:, None]
    score = jnp.sum(jnp.abs(x - agg), axis=1)
    _, idx = jax.lax.top_k(score.reshape(b, npg), k)
    idx = jnp.sort(idx, axis=1)
    perm = (idx + (jnp.arange(b) * npg)[:, None]).reshape(-1)
    new_pos = jnp.full((n,), -1, jnp.int32).at[perm].set(jnp.arange(b * k, dtype=jnp.int32))
    keep = (new_pos[src] >= 0) & (new_pos[dst] >= 0)
    ns = jnp.where(keep, new_pos[src], 0)
    nd = jnp.where(keep, new_pos[dst], 0)
    nw = jnp.where(keep, ew, 0.0)
    return x[perm], ns, nd, nw


def reference(x, edge_index, W1, W2, lin1_w, lin1_b, bn_g, bn_b, lin3_w, lin3_b):
    src, dst = edge_index[0], edge_index[1]
    ew = jnp.ones((E,), jnp.float32)
    h = jax.nn.relu(_gcn(x, src, dst, ew, W1, N))
    h, s1, d1, ew1 = _pool(h, src, dst, ew, N, NPG, K1)
    hb = h.reshape(B, K1, D2)
    x1 = jnp.concatenate([hb.max(axis=1), hb.mean(axis=1)], axis=1)
    h2 = jax.nn.relu(_gcn(h, s1, d1, ew1, W2, B * K1))
    h2, s2, d2, ew2 = _pool(h2, s1, d1, ew1, B * K1, K1, K2)
    h2b = h2.reshape(B, K2, D2)
    x2 = jnp.concatenate([h2b.max(axis=1), h2b.mean(axis=1)], axis=1)
    xf = jax.nn.relu(h2.reshape(B, K2 * D2))
    x3 = jax.nn.relu(x1) + jax.nn.relu(x2)
    xc = jnp.concatenate([xf, x3], axis=1)
    feats = jax.nn.relu(xc @ lin1_w + lin1_b)
    mu = feats.mean(axis=0)
    var = feats.var(axis=0)
    feats = (feats - mu) * jax.lax.rsqrt(var + 1e-5) * bn_g + bn_b
    out = (feats @ lin3_w + lin3_b).reshape(-1)
    return out

if __name__ == "__main__":
    import jax
    _d = setup_inputs()
    print(jax.jit(kernel)(*tuple(_d.values())))

</pallas_src>

<mosaic_0001>
#map = affine_map<(d0, d1) -> (0, 0)>
#map1 = affine_map<(d0, d1) -> (0, 0, 0)>
module attributes {stable_mosaic.version = 14 : i64} {
  func.func @_adj_body(%arg0: i32, %arg1: i32, %arg2: memref<256x1776xi32, #tpu.memory_space<hbm>>, %arg3: memref<256x1776xi32, #tpu.memory_space<hbm>>, %arg4: memref<256x111x112xf32, #tpu.memory_space<hbm>>, %arg5: memref<1776xi32, #tpu.memory_space<vmem>>, %arg6: memref<1776xi32, #tpu.memory_space<vmem>>, %arg7: memref<111x112xf32, #tpu.memory_space<vmem>>) attributes {dimension_semantics = [#tpu.dimension_semantics<core_parallel>, #tpu.dimension_semantics<subcore_parallel>], iteration_bounds = array<i64: 2, 16>, scalar_prefetch = 0 : i64, scratch_operands = 3 : i64, tpu.core_type = #tpu.core_type<sc_vector_subcore>, window_params = [{transform_indices = #map}, {transform_indices = #map}, {transform_indices = #map1}]} {
    %mul3A = arith.constant 2 : i32
    %mul3A_0 = arith.muli %arg1, %mul3A : i32
    %add3A = arith.addi %mul3A_0, %arg0 : i32
    %scan3A = arith.constant 0 : i32
    %scan3A_1 = arith.constant 0 : i32
    %scan3A_2 = arith.constant 8 : i32
    %scan3A_3 = arith.addi %scan3A_1, %scan3A_2 : i32
    %scan3A_4 = arith.constant 1 : i32
    scf.for %scan3A_6 = %scan3A_1 to %scan3A_3 step %scan3A_4  : i32 {
      %mul3A_7 = arith.constant 8 : i32
      %mul3A_8 = arith.muli %add3A, %mul3A_7 : i32
      %add3A_9 = arith.addi %mul3A_8, %scan3A_6 : i32
      %scan3A_10 = arith.constant 0 : i32
      %scan3A_11 = arith.constant 111 : i32
      %scan3A_12 = arith.addi %scan3A_10, %scan3A_11 : i32
      %scan3A_13 = arith.constant 1 : i32
      scf.for %scan3A_20 = %scan3A_10 to %scan3A_12 step %scan3A_13  : i32 {
        %broadcast_in_dim3A = arith.constant 0.000000e+00 : f32
        %broadcast_in_dim3A_21 = vector.broadcast %broadcast_in_dim3A : f32 to vector<16xf32>
        %swap3A = arith.index_cast %scan3A_20 : i32 to index
        %swap3A_22 = arith.constant 0 : index
        %swap3A_23 = tpu.vector_load %arg7[%swap3A, %swap3A_22] {strides = array<i32>} : memref<111x112xf32, #tpu.memory_space<vmem>>, vector<16xf32>,
        tpu.vector_store %arg7[%swap3A, %swap3A_22], %broadcast_in_dim3A_21 {strides = array<i32>} : memref<111x112xf32, #tpu.memory_space<vmem>>, vector<16xf32>,
        %broadcast_in_dim3A_24 = arith.constant 0.000000e+00 : f32
        %broadcast_in_dim3A_25 = vector.broadcast %broadcast_in_dim3A_24 : f32 to vector<16xf32>
        %swap3A_26 = arith.index_cast %scan3A_20 : i32 to index
        %swap3A_27 = arith.constant 16 : index
        %swap3A_28 = tpu.vector_load %arg7[%swap3A_26, %swap3A_27] {strides = array<i32>} : memref<111x112xf32, #tpu.memory_space<vmem>>, vector<16xf32>,
        tpu.vector_store %arg7[%swap3A_26, %swap3A_27], %broadcast_in_dim3A_25 {strides = array<i32>} : memref<111x112xf32, #tpu.memory_space<vmem>>, vector<16xf32>,
        %broadcast_in_dim3A_29 = arith.constant 0.000000e+00 : f32
        %broadcast_in_dim3A_30 = vector.broadcast %broadcast_in_dim3A_29 : f32 to vector<16xf32>
        %swap3A_31 = arith.index_cast %scan3A_20 : i32 to index
        %swap3A_32 = arith.constant 32 : index
        %swap3A_33 = tpu.vector_load %arg7[%swap3A_31, %swap3A_32] {strides = array<i32>} : memref<111x112xf32, #tpu.memory_space<vmem>>, vector<16xf32>,
        tpu.vector_store %arg7[%swap3A_31, %swap3A_32], %broadcast_in_dim3A_30 {strides = array<i32>} : memref<111x112xf32, #tpu.memory_space<vmem>>, vector<16xf32>,
        %broadcast_in_dim3A_34 = arith.constant 0.000000e+00 : f32
        %broadcast_in_dim3A_35 = vector.broadcast %broadcast_in_dim3A_34 : f32 to vector<16xf32>
        %swap3A_36 = arith.index_cast %scan3A_20 : i32 to index
        %swap3A_37 = arith.constant 48 : index
        %swap3A_38 = tpu.vector_load %arg7[%swap3A_36, %swap3A_37] {strides = array<i32>} : memref<111x112xf32, #tpu.memory_space<vmem>>, vector<16xf32>,
        tpu.vector_store %arg7[%swap3A_36, %swap3A_37], %broadcast_in_dim3A_35 {strides = array<i32>} : memref<111x112xf32, #tpu.memory_space<vmem>>, vector<16xf32>,
        %broadcast_in_dim3A_39 = arith.constant 0.000000e+00 : f32
        %broadcast_in_dim3A_40 = vector.broadcast %broadcast_in_dim3A_39 : f32 to vector<16xf32>
        %swap3A_41 = arith.index_cast %scan3A_20 : i32 to index
        %swap3A_42 = arith.constant 64 : index
        %swap3A_43 = tpu.vector_load %arg7[%swap3A_41, %swap3A_42] {strides = array<i32>} : memref<111x112xf32, #tpu.memory_space<vmem>>, vector<16xf32>,
        tpu.vector_store %arg7[%swap3A_41, %swap3A_42], %broadcast_in_dim3A_40 {strides = array<i32>} : memref<111x112xf32, #tpu.memory_space<vmem>>, vector<16xf32>,
        %broadcast_in_dim3A_44 = arith.constant 0.000000e+00 : f32
        %broadcast_in_dim3A_45 = vector.broadcast %broadcast_in_dim3A_44 : f32 to vector<16xf32>
        %swap3A_46 = arith.index_cast %scan3A_20 : i32 to index
        %swap3A_47 = arith.constant 80 : index
        %swap3A_48 = tpu.vector_load %arg7[%swap3A_46, %swap3A_47] {strides = array<i32>} : memref<111x112xf32, #tpu.memory_space<vmem>>, vector<16xf32>,
        tpu.vector_store %arg7[%swap3A_46, %swap3A_47], %broadcast_in_dim3A_45 {strides = array<i32>} : memref<111x112xf32, #tpu.memory_space<vmem>>, vector<16xf32>,
        %broadcast_in_dim3A_49 = arith.constant 0.000000e+00 : f32
        %broadcast_in_dim3A_50 = vector.broadcast %broadcast_in_dim3A_49 : f32 to vector<16xf32>
        %swap3A_51 = arith.index_cast %scan3A_20 : i32 to index
        %swap3A_52 = arith.constant 96 : index
        %swap3A_53 = tpu.vector_load %arg7[%swap3A_51, %swap3A_52] {strides = array<i32>} : memref<111x112xf32, #tpu.memory_space<vmem>>, vector<16xf32>,
        tpu.vector_store %arg7[%swap3A_51, %swap3A_52], %broadcast_in_dim3A_50 {strides = array<i32>} : memref<111x112xf32, #tpu.memory_space<vmem>>, vector<16xf32>,
      }
      %scan3A_14 = arith.constant 111 : i32
      "tpu.region"() ({
        %run_scoped3A = tpu.sem_alloc : memref<!tpu.dma_semaphore, #tpu.memory_space<semaphore_mem>>
        %dma_start3A = arith.constant 0 : i32
        %dma_start3A_20 = tpu.memref_slice %arg2[%add3A_9, %dma_start3A] : memref<256x1776xi32, #tpu.memory_space<hbm>> -> memref<1x1776xi32, #tpu.memory_space<hbm>>
        %dma_start3A_21 = tpu.memref_squeeze %dma_start3A_20 : memref<1x1776xi32, #tpu.memory_space<hbm>> -> memref<1776xi32, #tpu.memory_space<hbm>>
        %dma_start3A_22 = arith.constant 0 : i32
        %dma_start3A_23 = tpu.memref_slice %arg2[%add3A_9, %dma_start3A_22] : memref<256x1776xi32, #tpu.memory_space<hbm>> -> memref<1x1776xi32, #tpu.memory_space<hbm>>
        %dma_start3A_24 = tpu.memref_squeeze %dma_start3A_23 : memref<1x1776xi32, #tpu.memory_space<hbm>> -> memref<1776xi32, #tpu.memory_space<hbm>>
        tpu.enqueue_dma source(%dma_start3A_24 : memref<1776xi32, #tpu.memory_space<hbm>>) target(%arg5 : memref<1776xi32, #tpu.memory_space<vmem>>) target_semaphore(%run_scoped3A : memref<!tpu.dma_semaphore, #tpu.memory_space<semaphore_mem>>)
        %dma_wait3A = arith.constant 0 : i32
        %dma_wait3A_25 = tpu.memref_slice %arg2[%add3A_9, %dma_wait3A] : memref<256x1776xi32, #tpu.memory_space<hbm>> -> memref<1x1776xi32, #tpu.memory_space<hbm>>
        %dma_wait3A_26 = tpu.memref_squeeze %dma_wait3A_25 : memref<1x1776xi32, #tpu.memory_space<hbm>> -> memref<1776xi32, #tpu.memory_space<hbm>>
        %dma_wait3A_27 = arith.constant 0 : i32
        %dma_wait3A_28 = tpu.memref_slice %arg2[%add3A_9, %dma_wait3A_27] : memref<256x1776xi32, #tpu.memory_space<hbm>> -> memref<1x1776xi32, #tpu.memory_space<hbm>>
        %dma_wait3A_29 = tpu.memref_squeeze %dma_wait3A_28 : memref<1x1776xi32, #tpu.memory_space<hbm>> -> memref<1776xi32, #tpu.memory_space<hbm>>
        tpu.wait_dma2 semaphore(%run_scoped3A : memref<!tpu.dma_semaphore, #tpu.memory_space<semaphore_mem>>) src(%dma_wait3A_29 : memref<1776xi32, #tpu.memory_space<hbm>>) dst(%arg5 : memref<1776xi32, #tpu.memory_space<vmem>>)
        tpu.yield
      }) : () -> ()
      "tpu.region"() ({
        %run_scoped3A = tpu.sem_alloc : memref<!tpu.dma_semaphore, #tpu.memory_space<semaphore_mem>>
        %dma_start3A = arith.constant 0 : i32
        %dma_start3A_20 = tpu.memref_slice %arg3[%add3A_9, %dma_start3A] : memref<256x1776xi32, #tpu.memory_space<hbm>> -> memref<1x1776xi32, #tpu.memory_space<hbm>>
        %dma_start3A_21 = tpu.memref_squeeze %dma_start3A_20 : memref<1x1776xi32, #tpu.memory_space<hbm>> -> memref<1776xi32, #tpu.memory_space<hbm>>
        %dma_start3A_22 = arith.constant 0 : i32
        %dma_start3A_23 = tpu.memref_slice %arg3[%add3A_9, %dma_start3A_22] : memref<256x1776xi32, #tpu.memory_space<hbm>> -> memref<1x1776xi32, #tpu.memory_space<hbm>>
        %dma_start3A_24 = tpu.memref_squeeze %dma_start3A_23 : memref<1x1776xi32, #tpu.memory_space<hbm>> -> memref<1776xi32, #tpu.memory_space<hbm>>
        tpu.enqueue_dma source(%dma_start3A_24 : memref<1776xi32, #tpu.memory_space<hbm>>) target(%arg6 : memref<1776xi32, #tpu.memory_space<vmem>>) target_semaphore(%run_scoped3A : memref<!tpu.dma_semaphore, #tpu.memory_space<semaphore_mem>>)
        %dma_wait3A = arith.constant 0 : i32
        %dma_wait3A_25 = tpu.memref_slice %arg3[%add3A_9, %dma_wait3A] : memref<256x1776xi32, #tpu.memory_space<hbm>> -> memref<1x1776xi32, #tpu.memory_space<hbm>>
        %dma_wait3A_26 = tpu.memref_squeeze %dma_wait3A_25 : memref<1x1776xi32, #tpu.memory_space<hbm>> -> memref<1776xi32, #tpu.memory_space<hbm>>
        %dma_wait3A_27 = arith.constant 0 : i32
        %dma_wait3A_28 = tpu.memref_slice %arg3[%add3A_9, %dma_wait3A_27] : memref<256x1776xi32, #tpu.memory_space<hbm>> -> memref<1x1776xi32, #tpu.memory_space<hbm>>
        %dma_wait3A_29 = tpu.memref_squeeze %dma_wait3A_28 : memref<1x1776xi32, #tpu.memory_space<hbm>> -> memref<1776xi32, #tpu.memory_space<hbm>>
        tpu.wait_dma2 semaphore(%run_scoped3A : memref<!tpu.dma_semaphore, #tpu.memory_space<semaphore_mem>>) src(%dma_wait3A_29 : memref<1776xi32, #tpu.memory_space<hbm>>) dst(%arg6 : memref<1776xi32, #tpu.memory_space<vmem>>)
        tpu.yield
      }) : () -> ()
      %scan3A_15 = arith.constant 0 : i32
      %scan3A_16 = arith.constant 111 : i32
      %scan3A_17 = arith.addi %scan3A_15, %scan3A_16 : i32
      %scan3A_18 = arith.constant 1 : i32
      scf.for %scan3A_20 = %scan3A_15 to %scan3A_17 step %scan3A_18  : i32 {
        %mul3A_21 = arith.constant 16 : i32
        %mul3A_22 = arith.muli %scan3A_20, %mul3A_21 : i32
        %get3A = arith.index_cast %mul3A_22 : i32 to index
        %get3A_23 = tpu.vector_load %arg5[%get3A] {strides = array<i32>} : memref<1776xi32, #tpu.memory_space<vmem>>, vector<16xi32>,
        %mul3A_24 = arith.constant 16 : i32
        %mul3A_25 = arith.muli %scan3A_20, %mul3A_24 : i32
        %get3A_26 = arith.index_cast %mul3A_25 : i32 to index
        %get3A_27 = tpu.vector_load %arg6[%get3A_26] {strides = array<i32>} : memref<1776xi32, #tpu.memory_space<vmem>>, vector<16xi32>,
        %broadcast_in_dim3A = arith.constant 1.000000e+00 : f32
        %broadcast_in_dim3A_28 = vector.broadcast %broadcast_in_dim3A : f32 to vector<16xf32>
        tpu.vector_store_idx %arg7[%get3A_27, %get3A_23], %broadcast_in_dim3A_28 {add = true} : memref<111x112xf32, #tpu.memory_space<vmem>>[vector<16xi32>, vector<16xi32>], vector<16xf32>,
      }
      %scan3A_19 = arith.constant 111 : i32
      "tpu.region"() ({
        %run_scoped3A = tpu.sem_alloc : memref<!tpu.dma_semaphore, #tpu.memory_space<semaphore_mem>>
        %dma_start3A = arith.constant 0 : i32
        %dma_start3A_20 = arith.constant 0 : i32
        %dma_start3A_21 = tpu.memref_slice %arg4[%add3A_9, %dma_start3A, %dma_start3A_20] : memref<256x111x112xf32, #tpu.memory_space<hbm>> -> memref<1x111x112xf32, #tpu.memory_space<hbm>>
        %dma_start3A_22 = tpu.memref_squeeze %dma_start3A_21 : memref<1x111x112xf32, #tpu.memory_space<hbm>> -> memref<111x112xf32, #tpu.memory_space<hbm>>
        %dma_start3A_23 = arith.constant 0 : i32
        %dma_start3A_24 = arith.constant 0 : i32
        %dma_start3A_25 = tpu.memref_slice %arg4[%add3A_9, %dma_start3A_23, %dma_start3A_24] : memref<256x111x112xf32, #tpu.memory_space<hbm>> -> memref<1x111x112xf32, #tpu.memory_space<hbm>>
        %dma_start3A_26 = tpu.memref_squeeze %dma_start3A_25 : memref<1x111x112xf32, #tpu.memory_space<hbm>> -> memref<111x112xf32, #tpu.memory_space<hbm>>
        tpu.enqueue_dma source(%arg7 : memref<111x112xf32, #tpu.memory_space<vmem>>) target(%dma_start3A_26 : memref<111x112xf32, #tpu.memory_space<hbm>>) target_semaphore(%run_scoped3A : memref<!tpu.dma_semaphore, #tpu.memory_space<semaphore_mem>>)
        %dma_wait3A = arith.constant 0 : i32
        %dma_wait3A_27 = arith.constant 0 : i32
        %dma_wait3A_28 = tpu.memref_slice %arg4[%add3A_9, %dma_wait3A, %dma_wait3A_27] : memref<256x111x112xf32, #tpu.memory_space<hbm>> -> memref<1x111x112xf32, #tpu.memory_space<hbm>>
        %dma_wait3A_29 = tpu.memref_squeeze %dma_wait3A_28 : memref<1x111x112xf32, #tpu.memory_space<hbm>> -> memref<111x112xf32, #tpu.memory_space<hbm>>
        %dma_wait3A_30 = arith.constant 0 : i32
        %dma_wait3A_31 = arith.constant 0 : i32
        %dma_wait3A_32 = tpu.memref_slice %arg4[%add3A_9, %dma_wait3A_30, %dma_wait3A_31] : memref<256x111x112xf32, #tpu.memory_space<hbm>> -> memref<1x111x112xf32, #tpu.memory_space<hbm>>
        %dma_wait3A_33 = tpu.memref_squeeze %dma_wait3A_32 : memref<1x111x112xf32, #tpu.memory_space<hbm>> -> memref<111x112xf32, #tpu.memory_space<hbm>>
        tpu.wait_dma2 semaphore(%run_scoped3A : memref<!tpu.dma_semaphore, #tpu.memory_space<semaphore_mem>>) src(%arg7 : memref<111x112xf32, #tpu.memory_space<vmem>>) dst(%dma_wait3A_33 : memref<111x112xf32, #tpu.memory_space<hbm>>)
        tpu.yield
      }) : () -> ()
    }
    %scan3A_5 = arith.constant 8 : i32
    return
  }
}

module attributes {stable_mosaic.version = 14 : i64} {
  func.func @_gnn_body(%arg0: i32, %arg1: memref<8x111x111xf32, #tpu.memory_space<vmem>>, %arg2: memref<8x111x112xf32, #tpu.memory_space<vmem>>, %arg3: memref<1x111x128xf32, #tpu.memory_space<vmem>>, %arg4: memref<1x128x128xf32, #tpu.memory_space<vmem>>, %arg5: memref<8x28x128xf32, #tpu.memory_space<vmem>>, %arg6: memref<8x1x256xf32, #tpu.memory_space<vmem>>) attributes {dimension_semantics = [#tpu.dimension_semantics<arbitrary>], iteration_bounds = array<i64: 32>, scalar_prefetch = 0 : i64, scratch_operands = 0 : i64, tpu.core_type = #tpu.core_type<tc>, window_params = [{transform_indices = @transform_0, window_bounds = array<i64: 8, 111, 111>}, {transform_indices = @transform_1, window_bounds = array<i64: 8, 111, 112>}, {pipeline_mode = #tpu.pipeline_mode<synchronous>, transform_indices = @transform_2, window_bounds = array<i64: 1, 111, 128>}, {pipeline_mode = #tpu.pipeline_mode<synchronous>, transform_indices = @transform_3, window_bounds = array<i64: 1, 128, 128>}, {transform_indices = @transform_4, window_bounds = array<i64: 8, 28, 128>}, {transform_indices = @transform_5, window_bounds = array<i64: 8, 1, 256>}]} {
    %get3A = arith.constant 0 : index
    %get3A_0 = arith.constant 0 : index
    %get3A_1 = arith.constant 0 : index
    %get3A_2 = vector.load %arg3[%get3A, %get3A_0, %get3A_1] : memref<1x111x128xf32, #tpu.memory_space<vmem>>, vector<1x111x128xf32>
    %get3A_3 = vector.shape_cast %get3A_2 : vector<1x111x128xf32> to vector<111x128xf32>
    %get3A_4 = arith.constant 0 : index
    %get3A_5 = arith.constant 0 : index
    %get3A_6 = arith.constant 0 : index
    %get3A_7 = vector.load %arg4[%get3A_4, %get3A_5, %get3A_6] : memref<1x128x128xf32, #tpu.memory_space<vmem>>, vector<1x128x128xf32>
    %get3A_8 = vector.shape_cast %get3A_7 : vector<1x128x128xf32> to vector<128x128xf32>
    %iota3A = tpu.iota {dimensions = array<i32: 0>} : vector<111x111xi32>
    %iota3A_9 = tpu.iota {dimensions = array<i32: 1>} : vector<111x111xi32>
    %lt3A = arith.cmpi slt, %iota3A_9, %iota3A : vector<111x111xi32>
    %le3A = arith.cmpi sle, %iota3A_9, %iota3A : vector<111x111xi32>
    %convert_element_type3A = arith.extui %le3A : vector<111x111xi1> to vector<111x111xi32>
    %convert_element_type3A_10 = arith.sitofp %convert_element_type3A : vector<111x111xi32> to vector<111x111xf32>
    %iota3A_11 = tpu.iota {dimensions = array<i32: 0>} : vector<56x56xi32>
    %iota3A_12 = tpu.iota {dimensions = array<i32: 1>} : vector<56x56xi32>
    %lt3A_13 = arith.cmpi slt, %iota3A_12, %iota3A_11 : vector<56x56xi32>
    %le3A_14 = arith.cmpi sle, %iota3A_12, %iota3A_11 : vector<56x56xi32>
    %convert_element_type3A_15 = arith.extui %le3A_14 : vector<56x56xi1> to vector<56x56xi32>
    %convert_element_type3A_16 = arith.sitofp %convert_element_type3A_15 : vector<56x56xi32> to vector<56x56xf32>
    %get3A_17 = arith.constant 0 : index
    %get3A_18 = arith.constant 0 : index
    %get3A_19 = arith.constant 0 : index
    %get3A_20 = vector.load %arg1[%get3A_17, %get3A_18, %get3A_19] : memref<8x111x111xf32, #tpu.memory_space<vmem>>, vector<8x111x111xf32>
    %reshape3A = vector.shape_cast %get3A_20 : vector<8x111x111xf32> to vector<888x111xf32>
    %dot_general3A = arith.constant dense<0.000000e+00> : vector<888x128xf32>
    %dot_general3A_21 = tpu.matmul %reshape3A, %get3A_3, %dot_general3A {dimension_numbers = #tpu.dot_dimension_numbers<[1], [0], [0], [1], [0, 0, 1, 1], [], []>, transpose_lhs_hint = false} : vector<888x111xf32>, vector<111x128xf32>, vector<888x128xf32> -> vector<888x128xf32>
    %slice3A = vector.extract_strided_slice %dot_general3A_21 {offsets = [0, 0], sizes = [111, 128], strides = [1, 1]} : vector<888x128xf32> to vector<111x128xf32>
    %get3A_22 = arith.constant 0 : index
    %get3A_23 = arith.constant 0 : index
    %get3A_24 = arith.constant 0 : index
    %get3A_25 = vector.load %arg2[%get3A_22, %get3A_23, %get3A_24] : memref<8x111x112xf32, #tpu.memory_space<vmem>>, vector<1x111x112xf32>
    %get3A_26 = vector.shape_cast %get3A_25 : vector<1x111x112xf32> to vector<111x112xf32>
    %slice3A_27 = vector.extract_strided_slice %get3A_26 {offsets = [0, 0], sizes = [111, 111], strides = [1, 1]} : vector<111x112xf32> to vector<111x111xf32>
    %reduce_sum3A = arith.constant dense<0.000000e+00> : vector<111xf32>
    %reduce_sum3A_28 = vector.multi_reduction <add>, %slice3A_27, %reduce_sum3A [1] : vector<111x111xf32> to vector<111xf32>
    %broadcast_in_dim3A = vector.shape_cast %reduce_sum3A_28 : vector<111xf32> to vector<111x1xf32>
    %add3A = arith.constant 1.000000e+00 : f32
    %add3A_29 = vector.broadcast %add3A : f32 to vector<111x1xf32>
    %add3A_30 = arith.addf %broadcast_in_dim3A, %add3A_29 : vector<111x1xf32>
    %rsqrt3A = math.rsqrt %add3A_30 : vector<111x1xf32>
    %mul3A = vector.broadcast %rsqrt3A : vector<111x1xf32> to vector<111x128xf32>
    %mul3A_31 = arith.mulf %mul3A, %slice3A : vector<111x128xf32>
    %dot_general3A_32 = arith.constant dense<0.000000e+00> : vector<111x128xf32>
    %dot_general3A_33 = tpu.matmul %slice3A_27, %mul3A_31, %dot_general3A_32 {dimension_numbers = #tpu.dot_dimension_numbers<[1], [0], [0], [1], [0, 0, 1, 1], [], []>, precision = #tpu.contract_precision<fp32>, transpose_lhs_hint = false} : vector<111x111xf32>, vector<111x128xf32>, vector<111x128xf32> -> vector<111x128xf32>
    %add3A_34 = arith.addf %dot_general3A_33, %mul3A_31 : vector<111x128xf32>
    %mul3A_35 = vector.broadcast %rsqrt3A : vector<111x1xf32> to vector<111x128xf32>
    %mul3A_36 = arith.mulf %mul3A_35, %add3A_34 : vector<111x128xf32>
    %max3A = arith.constant 0.000000e+00 : f32
    %max3A_37 = vector.broadcast %max3A : f32 to vector<111x128xf32>
    %max3A_38 = arith.maximumf %mul3A_36, %max3A_37 : vector<111x128xf32>
    %dot_general3A_39 = arith.constant dense<0.000000e+00> : vector<111x128xf32>
    %dot_general3A_40 = tpu.matmul %slice3A_27, %max3A_38, %dot_general3A_39 {dimension_numbers = #tpu.dot_dimension_numbers<[1], [0], [0], [1], [0, 0, 1, 1], [], []>, precision = #tpu.contract_precision<fp32>, transpose_lhs_hint = false} : vector<111x111xf32>, vector<111x128xf32>, vector<111x128xf32> -> vector<111x128xf32>
    %add3A_41 = arith.constant 1.000000e-10 : f32
    %add3A_42 = vector.broadcast %add3A_41 : f32 to vector<111x1xf32>
    %add3A_43 = arith.addf %broadcast_in_dim3A, %add3A_42 : vector<111x1xf32>
    %div3A = vector.broadcast %add3A_43 : vector<111x1xf32> to vector<111x128xf32>
    %div3A_44 = arith.divf %dot_general3A_40, %div3A : vector<111x128xf32>
    %sub3A = arith.subf %max3A_38, %div3A_44 : vector<111x128xf32>
    %abs3A = math.absf %sub3A : vector<111x128xf32>
    %reduce_sum3A_45 = arith.constant dense<0.000000e+00> : vector<111xf32>
    %reduce_sum3A_46 = vector.multi_reduction <add>, %abs3A, %reduce_sum3A_45 [1] : vector<111x128xf32> to vector<111xf32>
    %broadcast_in_dim3A_47 = vector.shape_cast %reduce_sum3A_46 : vector<111xf32> to vector<111x1xf32>
    %transpose3A = tpu.transpose %broadcast_in_dim3A_47, [1, 0] : vector<111x1xf32> -> vector<1x111xf32>
    %gt3A = vector.broadcast %transpose3A : vector<1x111xf32> to vector<111x111xf32>
    %gt3A_48 = vector.broadcast %broadcast_in_dim3A_47 : vector<111x1xf32> to vector<111x111xf32>
    %gt3A_49 = arith.cmpf ogt, %gt3A, %gt3A_48 : vector<111x111xf32>
    %eq3A = vector.broadcast %transpose3A : vector<1x111xf32> to vector<111x111xf32>
    %eq3A_50 = vector.broadcast %broadcast_in_dim3A_47 : vector<111x1xf32> to vector<111x111xf32>
    %eq3A_51 = arith.cmpf oeq, %eq3A, %eq3A_50 : vector<111x111xf32>
    %and3A = arith.andi %eq3A_51, %lt3A : vector<111x111xi1>
    %or3A = arith.ori %gt3A_49, %and3A : vector<111x111xi1>
    %convert_element_type3A_52 = arith.extui %or3A : vector<111x111xi1> to vector<111x111xi32>
    %convert_element_type3A_53 = arith.sitofp %convert_element_type3A_52 : vector<111x111xi32> to vector<111x111xf32>
    %reduce_sum3A_54 = arith.constant dense<0.000000e+00> : vector<111xf32>
    %reduce_sum3A_55 = vector.multi_reduction <add>, %convert_element_type3A_53, %reduce_sum3A_54 [1] : vector<111x111xf32> to vector<111xf32>
    %broadcast_in_dim3A_56 = vector.shape_cast %reduce_sum3A_55 : vector<111xf32> to vector<111x1xf32>
    %lt3A_57 = arith.constant 5.600000e+01 : f32
    %lt3A_58 = vector.broadcast %lt3A_57 : f32 to vector<111x1xf32>
    %lt3A_59 = arith.cmpf olt, %broadcast_in_dim3A_56, %lt3A_58 : vector<111x1xf32>
    %convert_element_type3A_60 = arith.extui %lt3A_59 : vector<111x1xi1> to vector<111x1xi32>
    %convert_element_type3A_61 = arith.sitofp %convert_element_type3A_60 : vector<111x1xi32> to vector<111x1xf32>
    %dot_general3A_62 = arith.constant dense<0.000000e+00> : vector<111x1xf32>
    %dot_general3A_63 = tpu.matmul %convert_element_type3A_10, %convert_element_type3A_61, %dot_general3A_62 {dimension_numbers = #tpu.dot_dimension_numbers<[1], [0], [0], [1], [0, 0, 1, 1], [], []>, transpose_lhs_hint = false} : vector<111x111xf32>, vector<111x1xf32>, vector<111x1xf32> -> vector<111x1xf32>
    %sub3A_64 = arith.constant 1.000000e+00 : f32
    %sub3A_65 = vector.broadcast %sub3A_64 : f32 to vector<111x1xf32>
    %sub3A_66 = arith.subf %dot_general3A_63, %sub3A_65 : vector<111x1xf32>
    %iota3A_67 = tpu.iota {dimensions = array<i32: 1>} : vector<111x56xi32>
    %convert_element_type3A_68 = arith.fptosi %sub3A_66 : vector<111x1xf32> to vector<111x1xi32>
    %eq3A_69 = vector.broadcast %convert_element_type3A_68 : vector<111x1xi32> to vector<111x56xi32>
    %eq3A_70 = arith.cmpi eq, %eq3A_69, %iota3A_67 : vector<111x56xi32>
    %gt3A_71 = arith.constant 0.000000e+00 : f32
    %gt3A_72 = vector.broadcast %gt3A_71 : f32 to vector<111x1xf32>
    %gt3A_73 = arith.cmpf ogt, %convert_element_type3A_61, %gt3A_72 : vector<111x1xf32>
    %and3A_74 = vector.broadcast %gt3A_73 : vector<111x1xi1> to vector<111x56xi1>
    %and3A_75 = arith.andi %eq3A_70, %and3A_74 : vector<111x56xi1>
    %convert_element_type3A_76 = arith.extui %and3A_75 : vector<111x56xi1> to vector<111x56xi32>
    %convert_element_type3A_77 = arith.sitofp %convert_element_type3A_76 : vector<111x56xi32> to vector<111x56xf32>
    %dot_general3A_78 = arith.constant dense<0.000000e+00> : vector<111x56xf32>
    %dot_general3A_79 = tpu.matmul %slice3A_27, %convert_element_type3A_77, %dot_general3A_78 {dimension_numbers = #tpu.dot_dimension_numbers<[1], [0], [0], [1], [0, 0, 1, 1], [], []>, precision = #tpu.contract_precision<fp32>, transpose_lhs_hint = false} : vector<111x111xf32>, vector<111x56xf32>, vector<111x56xf32> -> vector<111x56xf32>
    %concatenate3A = tpu.concatenate %max3A_38, %dot_general3A_79 in 1 : vector<111x128xf32>, vector<111x56xf32> -> vector<111x184xf32>
    %dot_general3A_80 = arith.constant dense<0.000000e+00> : vector<56x184xf32>
    %dot_general3A_81 = tpu.matmul %convert_element_type3A_77, %concatenate3A, %dot_general3A_80 {dimension_numbers = #tpu.dot_dimension_numbers<[0], [0], [1], [1], [0, 1, 1, 1], [], []>, precision = #tpu.contract_precision<fp32>, transpose_lhs_hint = false} : vector<111x56xf32>, vector<111x184xf32>, vector<56x184xf32> -> vector<56x184xf32>
    %slice3A_82 = vector.extract_strided_slice %dot_general3A_81 {offsets = [0, 0], sizes = [56, 128], strides = [1, 1]} : vector<56x184xf32> to vector<56x128xf32>
    %slice3A_83 = vector.extract_strided_slice %dot_general3A_81 {offsets = [0, 128], sizes = [56, 56], strides = [1, 1]} : vector<56x184xf32> to vector<56x56xf32>
    %reduce_max3A = arith.constant dense<0xFF800000> : vector<128xf32>
    %reduce_max3A_84 = vector.multi_reduction <maximumf>, %slice3A_82, %reduce_max3A [0] : vector<56x128xf32> to vector<128xf32>
    %broadcast_in_dim3A_85 = vector.shape_cast %reduce_max3A_84 : vector<128xf32> to vector<1x128xf32>
    %reduce_sum3A_86 = arith.constant dense<0.000000e+00> : vector<128xf32>
    %reduce_sum3A_87 = vector.multi_reduction <add>, %slice3A_82, %reduce_sum3A_86 [0] : vector<56x128xf32> to vector<128xf32>
    %broadcast_in_dim3A_88 = vector.shape_cast %reduce_sum3A_87 : vector<128xf32> to vector<1x128xf32>
    %div3A_89 = arith.constant 5.600000e+01 : f32
    %div3A_90 = vector.broadcast %div3A_89 : f32 to vector<1x128xf32>
    %div3A_91 = arith.divf %broadcast_in_dim3A_88, %div3A_90 : vector<1x128xf32>
    %concatenate3A_92 = tpu.concatenate %broadcast_in_dim3A_85, %div3A_91 in 1 : vector<1x128xf32>, vector<1x128xf32> -> vector<1x256xf32>
    %slice3A_93 = vector.extract_strided_slice %dot_general3A_21 {offsets = [111, 0], sizes = [111, 128], strides = [1, 1]} : vector<888x128xf32> to vector<111x128xf32>
    %get3A_94 = arith.constant 1 : index
    %get3A_95 = arith.constant 0 : index
    %get3A_96 = arith.constant 0 : index
    %get3A_97 = vector.load %arg2[%get3A_94, %get3A_95, %get3A_96] : memref<8x111x112xf32, #tpu.memory_space<vmem>>, vector<1x111x112xf32>
    %get3A_98 = vector.shape_cast %get3A_97 : vector<1x111x112xf32> to vector<111x112xf32>
    %slice3A_99 = vector.extract_strided_slice %get3A_98 {offsets = [0, 0], sizes = [111, 111], strides = [1, 1]} : vector<111x112xf32> to vector<111x111xf32>
    %reduce_sum3A_100 = arith.constant dense<0.000000e+00> : vector<111xf32>
    %reduce_sum3A_101 = vector.multi_reduction <add>, %slice3A_99, %reduce_sum3A_100 [1] : vector<111x111xf32> to vector<111xf32>
    %broadcast_in_dim3A_102 = vector.shape_cast %reduce_sum3A_101 : vector<111xf32> to vector<111x1xf32>
    %add3A_103 = arith.constant 1.000000e+00 : f32
    %add3A_104 = vector.broadcast %add3A_103 : f32 to vector<111x1xf32>
    %add3A_105 = arith.addf %broadcast_in_dim3A_102, %add3A_104 : vector<111x1xf32>
    %rsqrt3A_106 = math.rsqrt %add3A_105 : vector<111x1xf32>
    %mul3A_107 = vector.broadcast %rsqrt3A_106 : vector<111x1xf32> to vector<111x128xf32>
    %mul3A_108 = arith.mulf %mul3A_107, %slice3A_93 : vector<111x128xf32>
    %dot_general3A_109 = arith.constant dense<0.000000e+00> : vector<111x128xf32>
    %dot_general3A_110 = tpu.matmul %slice3A_99, %mul3A_108, %dot_general3A_109 {dimension_numbers = #tpu.dot_dimension_numbers<[1], [0], [0], [1], [0, 0, 1, 1], [], []>, precision = #tpu.contract_precision<fp32>, transpose_lhs_hint = false} : vector<111x111xf32>, vector<111x128xf32>, vector<111x128xf32> -> vector<111x128xf32>
    %add3A_111 = arith.addf %dot_general3A_110, %mul3A_108 : vector<111x128xf32>
    %mul3A_112 = vector.broadcast %rsqrt3A_106 : vector<111x1xf32> to vector<111x128xf32>
    %mul3A_113 = arith.mulf %mul3A_112, %add3A_111 : vector<111x128xf32>
    %max3A_114 = arith.constant 0.000000e+00 : f32
    %max3A_115 = vector.broadcast %max3A_114 : f32 to vector<111x128xf32>
    %max3A_116 = arith.maximumf %mul3A_113, %max3A_115 : vector<111x128xf32>
    %dot_general3A_117 = arith.constant dense<0.000000e+00> : vector<111x128xf32>
    %dot_general3A_118 = tpu.matmul %slice3A_99, %max3A_116, %dot_general3A_117 {dimension_numbers = #tpu.dot_dimension_numbers<[1], [0], [0], [1], [0, 0, 1, 1], [], []>, precision = #tpu.contract_precision<fp32>, transpose_lhs_hint = false} : vector<111x111xf32>, vector<111x128xf32>, vector<111x128xf32> -> vector<111x128xf32>
    %add3A_119 = arith.constant 1.000000e-10 : f32
    %add3A_120 = vector.broadcast %add3A_119 : f32 to vector<111x1xf32>
    %add3A_121 = arith.addf %broadcast_in_dim3A_102, %add3A_120 : vector<111x1xf32>
    %div3A_122 = vector.broadcast %add3A_121 : vector<111x1xf32> to vector<111x128xf32>
    %div3A_123 = arith.divf %dot_general3A_118, %div3A_122 : vector<111x128xf32>
    %sub3A_124 = arith.subf %max3A_116, %div3A_123 : vector<111x128xf32>
    %abs3A_125 = math.absf %sub3A_124 : vector<111x128xf32>
    %reduce_sum3A_126 = arith.constant dense<0.000000e+00> : vector<111xf32>
    %reduce_sum3A_127 = vector.multi_reduction <add>, %abs3A_125, %reduce_sum3A_126 [1] : vector<111x128xf32> to vector<111xf32>
    %broadcast_in_dim3A_128 = vector.shape_cast %reduce_sum3A_127 : vector<111xf32> to vector<111x1xf32>
    %transpose3A_129 = tpu.transpose %broadcast_in_dim3A_128, [1, 0] : vector<111x1xf32> -> vector<1x111xf32>
    %gt3A_130 = vector.broadcast %transpose3A_129 : vector<1x111xf32> to vector<111x111xf32>
    %gt3A_131 = vector.broadcast %broadcast_in_dim3A_128 : vector<111x1xf32> to vector<111x111xf32>
    %gt3A_132 = arith.cmpf ogt, %gt3A_130, %gt3A_131 : vector<111x111xf32>
    %eq3A_133 = vector.broadcast %transpose3A_129 : vector<1x111xf32> to vector<111x111xf32>
    %eq3A_134 = vector.broadcast %broadcast_in_dim3A_128 : vector<111x1xf32> to vector<111x111xf32>
    %eq3A_135 = arith.cmpf oeq, %eq3A_133, %eq3A_134 : vector<111x111xf32>
    %and3A_136 = arith.andi %eq3A_135, %lt3A : vector<111x111xi1>
    %or3A_137 = arith.ori %gt3A_132, %and3A_136 : vector<111x111xi1>
    %convert_element_type3A_138 = arith.extui %or3A_137 : vector<111x111xi1> to vector<111x111xi32>
    %convert_element_type3A_139 = arith.sitofp %convert_element_type3A_138 : vector<111x111xi32> to vector<111x111xf32>
    %reduce_sum3A_140 = arith.constant dense<0.000000e+00> : vector<111xf32>
    %reduce_sum3A_141 = vector.multi_reduction <add>, %convert_element_type3A_139, %reduce_sum3A_140 [1] : vector<111x111xf32> to vector<111xf32>
    %broadcast_in_dim3A_142 = vector.shape_cast %reduce_sum3A_141 : vector<111xf32> to vector<111x1xf32>
    %lt3A_143 = arith.constant 5.600000e+01 : f32
    %lt3A_144 = vector.broadcast %lt3A_143 : f32 to vector<111x1xf32>
    %lt3A_145 = arith.cmpf olt, %broadcast_in_dim3A_142, %lt3A_144 : vector<111x1xf32>
    %convert_element_type3A_146 = arith.extui %lt3A_145 : vector<111x1xi1> to vector<111x1xi32>
    %convert_element_type3A_147 = arith.sitofp %convert_element_type3A_146 : vector<111x1xi32> to vector<111x1xf32>
    %dot_general3A_148 = arith.constant dense<0.000000e+00> : vector<111x1xf32>
    %dot_general3A_149 = tpu.matmul %convert_element_type3A_10, %convert_element_type3A_147, %dot_general3A_148 {dimension_numbers = #tpu.dot_dimension_numbers<[1], [0], [0], [1], [0, 0, 1, 1], [], []>, transpose_lhs_hint = false} : vector<111x111xf32>, vector<111x1xf32>, vector<111x1xf32> -> vector<111x1xf32>
    %sub3A_150 = arith.constant 1.000000e+00 : f32
    %sub3A_151 = vector.broadcast %sub3A_150 : f32 to vector<111x1xf32>
    %sub3A_152 = arith.subf %dot_general3A_149, %sub3A_151 : vector<111x1xf32>
    %iota3A_153 = tpu.iota {dimensions = array<i32: 1>} : vector<111x56xi32>
    %convert_element_type3A_154 = arith.fptosi %sub3A_152 : vector<111x1xf32> to vector<111x1xi32>
    %eq3A_155 = vector.broadcast %convert_element_type3A_154 : vector<111x1xi32> to vector<111x56xi32>
    %eq3A_156 = arith.cmpi eq, %eq3A_155, %iota3A_153 : vector<111x56xi32>
    %gt3A_157 = arith.constant 0.000000e+00 : f32
    %gt3A_158 = vector.broadcast %gt3A_157 : f32 to vector<111x1xf32>
    %gt3A_159 = arith.cmpf ogt, %convert_element_type3A_147, %gt3A_158 : vector<111x1xf32>
    %and3A_160 = vector.broadcast %gt3A_159 : vector<111x1xi1> to vector<111x56xi1>
    %and3A_161 = arith.andi %eq3A_156, %and3A_160 : vector<111x56xi1>
    %convert_element_type3A_162 = arith.extui %and3A_161 : vector<111x56xi1> to vector<111x56xi32>
    %convert_element_type3A_163 = arith.sitofp %convert_element_type3A_162 : vector<111x56xi32> to vector<111x56xf32>
    %dot_general3A_164 = arith.constant dense<0.000000e+00> : vector<111x56xf32>
    %dot_general3A_165 = tpu.matmul %slice3A_99, %convert_element_type3A_163, %dot_general3A_164 {dimension_numbers = #tpu.dot_dimension_numbers<[1], [0], [0], [1], [0, 0, 1, 1], [], []>, precision = #tpu.contract_precision<fp32>, transpose_lhs_hint = false} : vector<111x111xf32>, vector<111x56xf32>, vector<111x56xf32> -> vector<111x56xf32>
    %concatenate3A_166 = tpu.concatenate %max3A_116, %dot_general3A_165 in 1 : vector<111x128xf32>, vector<111x56xf32> -> vector<111x184xf32>
    %dot_general3A_167 = arith.constant dense<0.000000e+00> : vector<56x184xf32>
    %dot_general3A_168 = tpu.matmul %convert_element_type3A_163, %concatenate3A_166, %dot_general3A_167 {dimension_numbers = #tpu.dot_dimension_numbers<[0], [0], [1], [1], [0, 1, 1, 1], [], []>, precision = #tpu.contract_precision<fp32>, transpose_lhs_hint = false} : vector<111x56xf32>, vector<111x184xf32>, vector<56x184xf32> -> vector<56x184xf32>
    %slice3A_169 = vector.extract_strided_slice %dot_general3A_168 {offsets = [0, 0], sizes = [56, 128], strides = [1, 1]} : vector<56x184xf32> to vector<56x128xf32>
    %slice3A_170 = vector.extract_strided_slice %dot_general3A_168 {offsets = [0, 128], sizes = [56, 56], strides = [1, 1]} : vector<56x184xf32> to vector<56x56xf32>
    %reduce_max3A_171 = arith.constant dense<0xFF800000> : vector<128xf32>
    %reduce_max3A_172 = vector.multi_reduction <maximumf>, %slice3A_169, %reduce_max3A_171 [0] : vector<56x128xf32> to vector<128xf32>
    %broadcast_in_dim3A_173 = vector.shape_cast %reduce_max3A_172 : vector<128xf32> to vector<1x128xf32>
    %reduce_sum3A_174 = arith.constant dense<0.000000e+00> : vector<128xf32>
    %reduce_sum3A_175 = vector.multi_reduction <add>, %slice3A_169, %reduce_sum3A_174 [0] : vector<56x128xf32> to vector<128xf32>
    %broadcast_in_dim3A_176 = vector.shape_cast %reduce_sum3A_175 : vector<128xf32> to vector<1x128xf32>
    %div3A_177 = arith.constant 5.600000e+01 : f32
    %div3A_178 = vector.broadcast %div3A_177 : f32 to vector<1x128xf32>
    %div3A_179 = arith.divf %broadcast_in_dim3A_176, %div3A_178 : vector<1x128xf32>
    %concatenate3A_180 = tpu.concatenate %broadcast_in_dim3A_173, %div3A_179 in 1 : vector<1x128xf32>, vector<1x128xf32> -> vector<1x256xf32>
    %slice3A_181 = vector.extract_strided_slice %dot_general3A_21 {offsets = [222, 0], sizes = [111, 128], strides = [1, 1]} : vector<888x128xf32> to vector<111x128xf32>
    %get3A_182 = arith.constant 2 : index
    %get3A_183 = arith.constant 0 : index
    %get3A_184 = arith.constant 0 : index
    %get3A_185 = vector.load %arg2[%get3A_182, %get3A_183, %get3A_184] : memref<8x111x112xf32, #tpu.memory_space<vmem>>, vector<1x111x112xf32>
    %get3A_186 = vector.shape_cast %get3A_185 : vector<1x111x112xf32> to vector<111x112xf32>
    %slice3A_187 = vector.extract_strided_slice %get3A_186 {offsets = [0, 0], sizes = [111, 111], strides = [1, 1]} : vector<111x112xf32> to vector<111x111xf32>
    %reduce_sum3A_188 = arith.constant dense<0.000000e+00> : vector<111xf32>
    %reduce_sum3A_189 = vector.multi_reduction <add>, %slice3A_187, %reduce_sum3A_188 [1] : vector<111x111xf32> to vector<111xf32>
    %broadcast_in_dim3A_190 = vector.shape_cast %reduce_sum3A_189 : vector<111xf32> to vector<111x1xf32>
    %add3A_191 = arith.constant 1.000000e+00 : f32
    %add3A_192 = vector.broadcast %add3A_191 : f32 to vector<111x1xf32>
    %add3A_193 = arith.addf %broadcast_in_dim3A_190, %add3A_192 : vector<111x1xf32>
    %rsqrt3A_194 = math.rsqrt %add3A_193 : vector<111x1xf32>
    %mul3A_195 = vector.broadcast %rsqrt3A_194 : vector<111x1xf32> to vector<111x128xf32>
    %mul3A_196 = arith.mulf %mul3A_195, %slice3A_181 : vector<111x128xf32>
    %dot_general3A_197 = arith.constant dense<0.000000e+00> : vector<111x128xf32>
    %dot_general3A_198 = tpu.matmul %slice3A_187, %mul3A_196, %dot_general3A_197 {dimension_numbers = #tpu.dot_dimension_numbers<[1], [0], [0], [1], [0, 0, 1, 1], [], []>, precision = #tpu.contract_precision<fp32>, transpose_lhs_hint = false} : vector<111x111xf32>, vector<111x128xf32>, vector<111x128xf32> -> vector<111x128xf32>
    %add3A_199 = arith.addf %dot_general3A_198, %mul3A_196 : vector<111x128xf32>
    %mul3A_200 = vector.broadcast %rsqrt3A_194 : vector<111x1xf32> to vector<111x128xf32>
    %mul3A_201 = arith.mulf %mul3A_200, %add3A_199 : vector<111x128xf32>
    %max3A_202 = arith.constant 0.000000e+00 : f32
    %max3A_203 = vector.broadcast %max3A_202 : f32 to vector<111x128xf32>
    %max3A_204 = arith.maximumf %mul3A_201, %max3A_203 : vector<111x128xf32>
    %dot_general3A_205 = arith.constant dense<0.000000e+00> : vector<111x128xf32>
    %dot_general3A_206 = tpu.matmul %slice3A_187, %max3A_204, %dot_general3A_205 {dimension_numbers = #tpu.dot_dimension_numbers<[1], [0], [0], [1], [0, 0, 1, 1], [], []>, precision = #tpu.contract_precision<fp32>, transpose_lhs_hint = false} : vector<111x111xf32>, vector<111x128xf32>, vector<111x128xf32> -> vector<111x128xf32>
    %add3A_207 = arith.constant 1.000000e-10 : f32
    %add3A_208 = vector.broadcast %add3A_207 : f32 to vector<111x1xf32>
    %add3A_209 = arith.addf %broadcast_in_dim3A_190, %add3A_208 : vector<111x1xf32>
    %div3A_210 = vector.broadcast %add3A_209 : vector<111x1xf32> to vector<111x128xf32>
    %div3A_211 = arith.divf %dot_general3A_206, %div3A_210 : vector<111x128xf32>
    %sub3A_212 = arith.subf %max3A_204, %div3A_211 : vector<111x128xf32>
    %abs3A_213 = math.absf %sub3A_212 : vector<111x128xf32>
    %reduce_sum3A_214 = arith.constant dense<0.000000e+00> : vector<111xf32>
    %reduce_sum3A_215 = vector.multi_reduction <add>, %abs3A_213, %reduce_sum3A_214 [1] : vector<111x128xf32> to vector<111xf32>
    %broadcast_in_dim3A_216 = vector.shape_cast %reduce_sum3A_215 : vector<111xf32> to vector<111x1xf32>
    %transpose3A_217 = tpu.transpose %broadcast_in_dim3A_216, [1, 0] : vector<111x1xf32> -> vector<1x111xf32>
    %gt3A_218 = vector.broadcast %transpose3A_217 : vector<1x111xf32> to vector<111x111xf32>
    %gt3A_219 = vector.broadcast %broadcast_in_dim3A_216 : vector<111x1xf32> to vector<111x111xf32>
    %gt3A_220 = arith.cmpf ogt, %gt3A_218, %gt3A_219 : vector<111x111xf32>
    %eq3A_221 = vector.broadcast %transpose3A_217 : vector<1x111xf32> to vector<111x111xf32>
    %eq3A_222 = vector.broadcast %broadcast_in_dim3A_216 : vector<111x1xf32> to vector<111x111xf32>
    %eq3A_223 = arith.cmpf oeq, %eq3A_221, %eq3A_222 : vector<111x111xf32>
    %and3A_224 = arith.andi %eq3A_223, %lt3A : vector<111x111xi1>
    %or3A_225 = arith.ori %gt3A_220, %and3A_224 : vector<111x111xi1>
    %convert_element_type3A_226 = arith.extui %or3A_225 : vector<111x111xi1> to vector<111x111xi32>
    %convert_element_type3A_227 = arith.sitofp %convert_element_type3A_226 : vector<111x111xi32> to vector<111x111xf32>
    %reduce_sum3A_228 = arith.constant dense<0.000000e+00> : vector<111xf32>
    %reduce_sum3A_229 = vector.multi_reduction <add>, %convert_element_type3A_227, %reduce_sum3A_228 [1] : vector<111x111xf32> to vector<111xf32>
    %broadcast_in_dim3A_230 = vector.shape_cast %reduce_sum3A_229 : vector<111xf32> to vector<111x1xf32>
    %lt3A_231 = arith.constant 5.600000e+01 : f32
    %lt3A_232 = vector.broadcast %lt3A_231 : f32 to vector<111x1xf32>
    %lt3A_233 = arith.cmpf olt, %broadcast_in_dim3A_230, %lt3A_232 : vector<111x1xf32>
    %convert_element_type3A_234 = arith.extui %lt3A_233 : vector<111x1xi1> to vector<111x1xi32>
    %convert_element_type3A_235 = arith.sitofp %convert_element_type3A_234 : vector<111x1xi32> to vector<111x1xf32>
    %dot_general3A_236 = arith.constant dense<0.000000e+00> : vector<111x1xf32>
    %dot_general3A_237 = tpu.matmul %convert_element_type3A_10, %convert_element_type3A_235, %dot_general3A_236 {dimension_numbers = #tpu.dot_dimension_numbers<[1], [0], [0], [1], [0, 0, 1, 1], [], []>, transpose_lhs_hint = false} : vector<111x111xf32>, vector<111x1xf32>, vector<111x1xf32> -> vector<111x1xf32>
    %sub3A_238 = arith.constant 1.000000e+00 : f32
    %sub3A_239 = vector.broadcast %sub3A_238 : f32 to vector<111x1xf32>
    %sub3A_240 = arith.subf %dot_general3A_237, %sub3A_239 : vector<111x1xf32>
    %iota3A_241 = tpu.iota {dimensions = array<i32: 1>} : vector<111x56xi32>
    %convert_element_type3A_242 = arith.fptosi %sub3A_240 : vector<111x1xf32> to vector<111x1xi32>
    %eq3A_243 = vector.broadcast %convert_element_type3A_242 : vector<111x1xi32> to vector<111x56xi32>
    %eq3A_244 = arith.cmpi eq, %eq3A_243, %iota3A_241 : vector<111x56xi32>
    %gt3A_245 = arith.constant 0.000000e+00 : f32
    %gt3A_246 = vector.broadcast %gt3A_245 : f32 to vector<111x1xf32>
    %gt3A_247 = arith.cmpf ogt, %convert_element_type3A_235, %gt3A_246 : vector<111x1xf32>
    %and3A_248 = vector.broadcast %gt3A_247 : vector<111x1xi1> to vector<111x56xi1>
    %and3A_249 = arith.andi %eq3A_244, %and3A_248 : vector<111x56xi1>
    %convert_element_type3A_250 = arith.extui %and3A_249 : vector<111x56xi1> to vector<111x56xi32>
    %convert_element_type3A_251 = arith.sitofp %convert_element_type3A_250 : vector<111x56xi32> to vector<111x56xf32>
    %dot_general3A_252 = arith.constant dense<0.000000e+00> : vector<111x56xf32>
    %dot_general3A_253 = tpu.matmul %slice3A_187, %convert_element_type3A_251, %dot_general3A_252 {dimension_numbers = #tpu.dot_dimension_numbers<[1], [0], [0], [1], [0, 0, 1, 1], [], []>, precision = #tpu.contract_precision<fp32>, transpose_lhs_hint = false} : vector<111x111xf32>, vector<111x56xf32>, vector<111x56xf32> -> vector<111x56xf32>
    %concatenate3A_254 = tpu.concatenate %max3A_204, %dot_general3A_253 in 1 : vector<111x128xf32>, vector<111x56xf32> -> vector<111x184xf32>
    %dot_general3A_255 = arith.constant dense<0.000000e+00> : vector<56x184xf32>
    %dot_general3A_256 = tpu.matmul %convert_element_type3A_251, %concatenate3A_254, %dot_general3A_255 {dimension_numbers = #tpu.dot_dimension_numbers<[0], [0], [1], [1], [0, 1, 1, 1], [], []>, precision = #tpu.contract_precision<fp32>, transpose_lhs_hint = false} : vector<111x56xf32>, vector<111x184xf32>, vector<56x184xf32> -> vector<56x184xf32>
    %slice3A_257 = vector.extract_strided_slice %dot_general3A_256 {offsets = [0, 0], sizes = [56, 128], strides = [1, 1]} : vector<56x184xf32> to vector<56x128xf32>
    %slice3A_258 = vector.extract_strided_slice %dot_general3A_256 {offsets = [0, 128], sizes = [56, 56], strides = [1, 1]} : vector<56x184xf32> to vector<56x56xf32>
    %reduce_max3A_259 = arith.constant dense<0xFF800000> : vector<128xf32>
    %reduce_max3A_260 = vector.multi_reduction <maximumf>, %slice3A_257, %reduce_max3A_259 [0] : vector<56x128xf32> to vector<128xf32>
    %broadcast_in_dim3A_261 = vector.shape_cast %reduce_max3A_260 : vector<128xf32> to vector<1x128xf32>
    %reduce_sum3A_262 = arith.constant dense<0.000000e+00> : vector<128xf32>
    %reduce_sum3A_263 = vector.multi_reduction <add>, %slice3A_257, %reduce_sum3A_262 [0] : vector<56x128xf32> to vector<128xf32>
    %broadcast_in_dim3A_264 = vector.shape_cast %reduce_sum3A_263 : vector<128xf32> to vector<1x128xf32>
    %div3A_265 = arith.constant 5.600000e+01 : f32
    %div3A_266 = vector.broadcast %div3A_265 : f32 to vector<1x128xf32>
    %div3A_267 = arith.divf %broadcast_in_dim3A_264, %div3A_266 : vector<1x128xf32>
    %concatenate3A_268 = tpu.concatenate %broadcast_in_dim3A_261, %div3A_267 in 1 : vector<1x128xf32>, vector<1x128xf32> -> vector<1x256xf32>
    %slice3A_269 = vector.extract_strided_slice %dot_general3A_21 {offsets = [333, 0], sizes = [111, 128], strides = [1, 1]} : vector<888x128xf32> to vector<111x128xf32>
    %get3A_270 = arith.constant 3 : index
    %get3A_271 = arith.constant 0 : index
    %get3A_272 = arith.constant 0 : index
    %get3A_273 = vector.load %arg2[%get3A_270, %get3A_271, %get3A_272] : memref<8x111x112xf32, #tpu.memory_space<vmem>>, vector<1x111x112xf32>
    %get3A_274 = vector.shape_cast %get3A_273 : vector<1x111x112xf32> to vector<111x112xf32>
    %slice3A_275 = vector.extract_strided_slice %get3A_274 {offsets = [0, 0], sizes = [111, 111], strides = [1, 1]} : vector<111x112xf32> to vector<111x111xf32>
    %reduce_sum3A_276 = arith.constant dense<0.000000e+00> : vector<111xf32>
    %reduce_sum3A_277 = vector.multi_reduction <add>, %slice3A_275, %reduce_sum3A_276 [1] : vector<111x111xf32> to vector<111xf32>
    %broadcast_in_dim3A_278 = vector.shape_cast %reduce_sum3A_277 : vector<111xf32> to vector<111x1xf32>
    %add3A_279 = arith.constant 1.000000e+00 : f32
    %add3A_280 = vector.broadcast %add3A_279 : f32 to vector<111x1xf32>
    %add3A_281 = arith.addf %broadcast_in_dim3A_278, %add3A_280 : vector<111x1xf32>
    %rsqrt3A_282 = math.rsqrt %add3A_281 : vector<111x1xf32>
    %mul3A_283 = vector.broadcast %rsqrt3A_282 : vector<111x1xf32> to vector<111x128xf32>
    %mul3A_284 = arith.mulf %mul3A_283, %slice3A_269 : vector<111x128xf32>
    %dot_general3A_285 = arith.constant dense<0.000000e+00> : vector<111x128xf32>
    %dot_general3A_286 = tpu.matmul %slice3A_275, %mul3A_284, %dot_general3A_285 {dimension_numbers = #tpu.dot_dimension_numbers<[1], [0], [0], [1], [0, 0, 1, 1], [], []>, precision = #tpu.contract_precision<fp32>, transpose_lhs_hint = false} : vector<111x111xf32>, vector<111x128xf32>, vector<111x128xf32> -> vector<111x128xf32>
    %add3A_287 = arith.addf %dot_general3A_286, %mul3A_284 : vector<111x128xf32>
    %mul3A_288 = vector.broadcast %rsqrt3A_282 : vector<111x1xf32> to vector<111x128xf32>
    %mul3A_289 = arith.mulf %mul3A_288, %add3A_287 : vector<111x128xf32>
    %max3A_290 = arith.constant 0.000000e+00 : f32
    %max3A_291 = vector.broadcast %max3A_290 : f32 to vector<111x128xf32>
    %max3A_292 = arith.maximumf %mul3A_289, %max3A_291 : vector<111x128xf32>
    %dot_general3A_293 = arith.constant dense<0.000000e+00> : vector<111x128xf32>
    %dot_general3A_294 = tpu.matmul %slice3A_275, %max3A_292, %dot_general3A_293 {dimension_numbers = #tpu.dot_dimension_numbers<[1], [0], [0], [1], [0, 0, 1, 1], [], []>, precision = #tpu.contract_precision<fp32>, transpose_lhs_hint = false} : vector<111x111xf32>, vector<111x128xf32>, vector<111x128xf32> -> vector<111x128xf32>
    %add3A_295 = arith.constant 1.000000e-10 : f32
    %add3A_296 = vector.broadcast %add3A_295 : f32 to vector<111x1xf32>
    %add3A_297 = arith.addf %broadcast_in_dim3A_278, %add3A_296 : vector<111x1xf32>
    %div3A_298 = vector.broadcast %add3A_297 : vector<111x1xf32> to vector<111x128xf32>
    %div3A_299 = arith.divf %dot_general3A_294, %div3A_298 : vector<111x128xf32>
    %sub3A_300 = arith.subf %max3A_292, %div3A_299 : vector<111x128xf32>
    %abs3A_301 = math.absf %sub3A_300 : vector<111x128xf32>
    %reduce_sum3A_302 = arith.constant dense<0.000000e+00> : vector<111xf32>
    %reduce_sum3A_303 = vector.multi_reduction <add>, %abs3A_301, %reduce_sum3A_302 [1] : vector<111x128xf32> to vector<111xf32>
    %broadcast_in_dim3A_304 = vector.shape_cast %reduce_sum3A_303 : vector<111xf32> to vector<111x1xf32>
    %transpose3A_305 = tpu.transpose %broadcast_in_dim3A_304, [1, 0] : vector<111x1xf32> -> vector<1x111xf32>
    %gt3A_306 = vector.broadcast %transpose3A_305 : vector<1x111xf32> to vector<111x111xf32>
    %gt3A_307 = vector.broadcast %broadcast_in_dim3A_304 : vector<111x1xf32> to vector<111x111xf32>
    %gt3A_308 = arith.cmpf ogt, %gt3A_306, %gt3A_307 : vector<111x111xf32>
    %eq3A_309 = vector.broadcast %transpose3A_305 : vector<1x111xf32> to vector<111x111xf32>
    %eq3A_310 = vector.broadcast %broadcast_in_dim3A_304 : vector<111x1xf32> to vector<111x111xf32>
    %eq3A_311 = arith.cmpf oeq, %eq3A_309, %eq3A_310 : vector<111x111xf32>
    %and3A_312 = arith.andi %eq3A_311, %lt3A : vector<111x111xi1>
    %or3A_313 = arith.ori %gt3A_308, %and3A_312 : vector<111x111xi1>
    %convert_element_type3A_314 = arith.extui %or3A_313 : vector<111x111xi1> to vector<111x111xi32>
    %convert_element_type3A_315 = arith.sitofp %convert_element_type3A_314 : vector<111x111xi32> to vector<111x111xf32>
    %reduce_sum3A_316 = arith.constant dense<0.000000e+00> : vector<111xf32>
    %reduce_sum3A_317 = vector.multi_reduction <add>, %convert_element_type3A_315, %reduce_sum3A_316 [1] : vector<111x111xf32> to vector<111xf32>
    %broadcast_in_dim3A_318 = vector.shape_cast %reduce_sum3A_317 : vector<111xf32> to vector<111x1xf32>
    %lt3A_319 = arith.constant 5.600000e+01 : f32
    %lt3A_320 = vector.broadcast %lt3A_319 : f32 to vector<111x1xf32>
    %lt3A_321 = arith.cmpf olt, %broadcast_in_dim3A_318, %lt3A_320 : vector<111x1xf32>
    %convert_element_type3A_322 = arith.extui %lt3A_321 : vector<111x1xi1> to vector<111x1xi32>
    %convert_element_type3A_323 = arith.sitofp %convert_element_type3A_322 : vector<111x1xi32> to vector<111x1xf32>
    %dot_general3A_324 = arith.constant dense<0.000000e+00> : vector<111x1xf32>
    %dot_general3A_325 = tpu.matmul %convert_element_type3A_10, %convert_element_type3A_323, %dot_general3A_324 {dimension_numbers = #tpu.dot_dimension_numbers<[1], [0], [0], [1], [0, 0, 1, 1], [], []>, transpose_lhs_hint = false} : vector<111x111xf32>, vector<111x1xf32>, vector<111x1xf32> -> vector<111x1xf32>
    %sub3A_326 = arith.constant 1.000000e+00 : f32
    %sub3A_327 = vector.broadcast %sub3A_326 : f32 to vector<111x1xf32>
    %sub3A_328 = arith.subf %dot_general3A_325, %sub3A_327 : vector<111x1xf32>
    %iota3A_329 = tpu.iota {dimensions = array<i32: 1>} : vector<111x56xi32>
    %convert_element_type3A_330 = arith.fptosi %sub3A_328 : vector<111x1xf32> to vector<111x1xi32>
    %eq3A_331 = vector.broadcast %convert_element_type3A_330 : vector<111x1xi32> to vector<111x56xi32>
    %eq3A_332 = arith.cmpi eq, %eq3A_331, %iota3A_329 : vector<111x56xi32>
    %gt3A_333 = arith.constant 0.000000e+00 : f32
    %gt3A_334 = vector.broadcast %gt3A_333 : f32 to vector<111x1xf32>
    %gt3A_335 = arith.cmpf ogt, %convert_element_type3A_323, %gt3A_334 : vector<111x1xf32>
    %and3A_336 = vector.broadcast %gt3A_335 : vector<111x1xi1> to vector<111x56xi1>
    %and3A_337 = arith.andi %eq3A_332, %and3A_336 : vector<111x56xi1>
    %convert_element_type3A_338 = arith.extui %and3A_337 : vector<111x56xi1> to vector<111x56xi32>
    %convert_element_type3A_339 = arith.sitofp %convert_element_type3A_338 : vector<111x56xi32> to vector<111x56xf32>
    %dot_general3A_340 = arith.constant dense<0.000000e+00> : vector<111x56xf32>
    %dot_general3A_341 = tpu.matmul %slice3A_275, %convert_element_type3A_339, %dot_general3A_340 {dimension_numbers = #tpu.dot_dimension_numbers<[1], [0], [0], [1], [0, 0, 1, 1], [], []>, precision = #tpu.contract_precision<fp32>, transpose_lhs_hint = false} : vector<111x111xf32>, vector<111x56xf32>, vector<111x56xf32> -> vector<111x56xf32>
    %concatenate3A_342 = tpu.concatenate %max3A_292, %dot_general3A_341 in 1 : vector<111x128xf32>, vector<111x56xf32> -> vector<111x184xf32>
    %dot_general3A_343 = arith.constant dense<0.000000e+00> : vector<56x184xf32>
    %dot_general3A_344 = tpu.matmul %convert_element_type3A_339, %concatenate3A_342, %dot_general3A_343 {dimension_numbers = #tpu.dot_dimension_numbers<[0], [0], [1], [1], [0, 1, 1, 1], [], []>, precision = #tpu.contract_precision<fp32>, transpose_lhs_hint = false} : vector<111x56xf32>, vector<111x184xf32>, vector<56x184xf32> -> vector<56x184xf32>
    %slice3A_345 = vector.extract_strided_slice %dot_general3A_344 {offsets = [0, 0], sizes = [56, 128], strides = [1, 1]} : vector<56x184xf32> to vector<56x128xf32>
    %slice3A_346 = vector.extract_strided_slice %dot_general3A_344 {offsets = [0, 128], sizes = [56, 56], strides = [1, 1]} : vector<56x184xf32> to vector<56x56xf32>
    %reduce_max3A_347 = arith.constant dense<0xFF800000> : vector<128xf32>
    %reduce_max3A_348 = vector.multi_reduction <maximumf>, %slice3A_345, %reduce_max3A_347 [0] : vector<56x128xf32> to vector<128xf32>
    %broadcast_in_dim3A_349 = vector.shape_cast %reduce_max3A_348 : vector<128xf32> to vector<1x128xf32>
    %reduce_sum3A_350 = arith.constant dense<0.000000e+00> : vector<128xf32>
    %reduce_sum3A_351 = vector.multi_reduction <add>, %slice3A_345, %reduce_sum3A_350 [0] : vector<56x128xf32> to vector<128xf32>
    %broadcast_in_dim3A_352 = vector.shape_cast %reduce_sum3A_351 : vector<128xf32> to vector<1x128xf32>
    %div3A_353 = arith.constant 5.600000e+01 : f32
    %div3A_354 = vector.broadcast %div3A_353 : f32 to vector<1x128xf32>
    %div3A_355 = arith.divf %broadcast_in_dim3A_352, %div3A_354 : vector<1x128xf32>
    %concatenate3A_356 = tpu.concatenate %broadcast_in_dim3A_349, %div3A_355 in 1 : vector<1x128xf32>, vector<1x128xf32> -> vector<1x256xf32>
    %slice3A_357 = vector.extract_strided_slice %dot_general3A_21 {offsets = [444, 0], sizes = [111, 128], strides = [1, 1]} : vector<888x128xf32> to vector<111x128xf32>
    %get3A_358 = arith.constant 4 : index
    %get3A_359 = arith.constant 0 : index
    %get3A_360 = arith.constant 0 : index
    %get3A_361 = vector.load %arg2[%get3A_358, %get3A_359, %get3A_360] : memref<8x111x112xf32, #tpu.memory_space<vmem>>, vector<1x111x112xf32>
    %get3A_362 = vector.shape_cast %get3A_361 : vector<1x111x112xf32> to vector<111x112xf32>
    %slice3A_363 = vector.extract_strided_slice %get3A_362 {offsets = [0, 0], sizes = [111, 111], strides = [1, 1]} : vector<111x112xf32> to vector<111x111xf32>
    %reduce_sum3A_364 = arith.constant dense<0.000000e+00> : vector<111xf32>
    %reduce_sum3A_365 = vector.multi_reduction <add>, %slice3A_363, %reduce_sum3A_364 [1] : vector<111x111xf32> to vector<111xf32>
    %broadcast_in_dim3A_366 = vector.shape_cast %reduce_sum3A_365 : vector<111xf32> to vector<111x1xf32>
    %add3A_367 = arith.constant 1.000000e+00 : f32
    %add3A_368 = vector.broadcast %add3A_367 : f32 to vector<111x1xf32>
    %add3A_369 = arith.addf %broadcast_in_dim3A_366, %add3A_368 : vector<111x1xf32>
    %rsqrt3A_370 = math.rsqrt %add3A_369 : vector<111x1xf32>
    %mul3A_371 = vector.broadcast %rsqrt3A_370 : vector<111x1xf32> to vector<111x128xf32>
    %mul3A_372 = arith.mulf %mul3A_371, %slice3A_357 : vector<111x128xf32>
    %dot_general3A_373 = arith.constant dense<0.000000e+00> : vector<111x128xf32>
    %dot_general3A_374 = tpu.matmul %slice3A_363, %mul3A_372, %dot_general3A_373 {dimension_numbers = #tpu.dot_dimension_numbers<[1], [0], [0], [1], [0, 0, 1, 1], [], []>, precision = #tpu.contract_precision<fp32>, transpose_lhs_hint = false} : vector<111x111xf32>, vector<111x128xf32>, vector<111x128xf32> -> vector<111x128xf32>
    %add3A_375 = arith.addf %dot_general3A_374, %mul3A_372 : vector<111x128xf32>
    %mul3A_376 = vector.broadcast %rsqrt3A_370 : vector<111x1xf32> to vector<111x128xf32>
    %mul3A_377 = arith.mulf %mul3A_376, %add3A_375 : vector<111x128xf32>
    %max3A_378 = arith.constant 0.000000e+00 : f32
    %max3A_379 = vector.broadcast %max3A_378 : f32 to vector<111x128xf32>
    %max3A_380 = arith.maximumf %mul3A_377, %max3A_379 : vector<111x128xf32>
    %dot_general3A_381 = arith.constant dense<0.000000e+00> : vector<111x128xf32>
    %dot_general3A_382 = tpu.matmul %slice3A_363, %max3A_380, %dot_general3A_381 {dimension_numbers = #tpu.dot_dimension_numbers<[1], [0], [0], [1], [0, 0, 1, 1], [], []>, precision = #tpu.contract_precision<fp32>, transpose_lhs_hint = false} : vector<111x111xf32>, vector<111x128xf32>, vector<111x128xf32> -> vector<111x128xf32>
    %add3A_383 = arith.constant 1.000000e-10 : f32
    %add3A_384 = vector.broadcast %add3A_383 : f32 to vector<111x1xf32>
    %add3A_385 = arith.addf %broadcast_in_dim3A_366, %add3A_384 : vector<111x1xf32>
    %div3A_386 = vector.broadcast %add3A_385 : vector<111x1xf32> to vector<111x128xf32>
    %div3A_387 = arith.divf %dot_general3A_382, %div3A_386 : vector<111x128xf32>
    %sub3A_388 = arith.subf %max3A_380, %div3A_387 : vector<111x128xf32>
    %abs3A_389 = math.absf %sub3A_388 : vector<111x128xf32>
    %reduce_sum3A_390 = arith.constant dense<0.000000e+00> : vector<111xf32>
    %reduce_sum3A_391 = vector.multi_reduction <add>, %abs3A_389, %reduce_sum3A_390 [1] : vector<111x128xf32> to vector<111xf32>
    %broadcast_in_dim3A_392 = vector.shape_cast %reduce_sum3A_391 : vector<111xf32> to vector<111x1xf32>
    %transpose3A_393 = tpu.transpose %broadcast_in_dim3A_392, [1, 0] : vector<111x1xf32> -> vector<1x111xf32>
    %gt3A_394 = vector.broadcast %transpose3A_393 : vector<1x111xf32> to vector<111x111xf32>
    %gt3A_395 = vector.broadcast %broadcast_in_dim3A_392 : vector<111x1xf32> to vector<111x111xf32>
    %gt3A_396 = arith.cmpf ogt, %gt3A_394, %gt3A_395 : vector<111x111xf32>
    %eq3A_397 = vector.broadcast %transpose3A_393 : vector<1x111xf32> to vector<111x111xf32>
    %eq3A_398 = vector.broadcast %broadcast_in_dim3A_392 : vector<111x1xf32> to vector<111x111xf32>
    %eq3A_399 = arith.cmpf oeq, %eq3A_397, %eq3A_398 : vector<111x111xf32>
    %and3A_400 = arith.andi %eq3A_399, %lt3A : vector<111x111xi1>
    %or3A_401 = arith.ori %gt3A_396, %and3A_400 : vector<111x111xi1>
    %convert_element_type3A_402 = arith.extui %or3A_401 : vector<111x111xi1> to vector<111x111xi32>
    %convert_element_type3A_403 = arith.sitofp %convert_element_type3A_402 : vector<111x111xi32> to vector<111x111xf32>
    %reduce_sum3A_404 = arith.constant dense<0.000000e+00> : vector<111xf32>
    %reduce_sum3A_405 = vector.multi_reduction <add>, %convert_element_type3A_403, %reduce_sum3A_404 [1] : vector<111x111xf32> to vector<111xf32>
    %broadcast_in_dim3A_406 = vector.shape_cast %reduce_sum3A_405 : vector<111xf32> to vector<111x1xf32>
    %lt3A_407 = arith.constant 5.600000e+01 : f32
    %lt3A_408 = vector.broadcast %lt3A_407 : f32 to vector<111x1xf32>
    %lt3A_409 = arith.cmpf olt, %broadcast_in_dim3A_406, %lt3A_408 : vector<111x1xf32>
    %convert_element_type3A_410 = arith.extui %lt3A_409 : vector<111x1xi1> to vector<111x1xi32>
    %convert_element_type3A_411 = arith.sitofp %convert_element_type3A_410 : vector<111x1xi32> to vector<111x1xf32>
    %dot_general3A_412 = arith.constant dense<0.000000e+00> : vector<111x1xf32>
    %dot_general3A_413 = tpu.matmul %convert_element_type3A_10, %convert_element_type3A_411, %dot_general3A_412 {dimension_numbers = #tpu.dot_dimension_numbers<[1], [0], [0], [1], [0, 0, 1, 1], [], []>, transpose_lhs_hint = false} : vector<111x111xf32>, vector<111x1xf32>, vector<111x1xf32> -> vector<111x1xf32>
    %sub3A_414 = arith.constant 1.000000e+00 : f32
    %sub3A_415 = vector.broadcast %sub3A_414 : f32 to vector<111x1xf32>
    %sub3A_416 = arith.subf %dot_general3A_413, %sub3A_415 : vector<111x1xf32>
    %iota3A_417 = tpu.iota {dimensions = array<i32: 1>} : vector<111x56xi32>
    %convert_element_type3A_418 = arith.fptosi %sub3A_416 : vector<111x1xf32> to vector<111x1xi32>
    %eq3A_419 = vector.broadcast %convert_element_type3A_418 : vector<111x1xi32> to vector<111x56xi32>
    %eq3A_420 = arith.cmpi eq, %eq3A_419, %iota3A_417 : vector<111x56xi32>
    %gt3A_421 = arith.constant 0.000000e+00 : f32
    %gt3A_422 = vector.broadcast %gt3A_421 : f32 to vector<111x1xf32>
    %gt3A_423 = arith.cmpf ogt, %convert_element_type3A_411, %gt3A_422 : vector<111x1xf32>
    %and3A_424 = vector.broadcast %gt3A_423 : vector<111x1xi1> to vector<111x56xi1>
    %and3A_425 = arith.andi %eq3A_420, %and3A_424 : vector<111x56xi1>
    %convert_element_type3A_426 = arith.extui %and3A_425 : vector<111x56xi1> to vector<111x56xi32>
    %convert_element_type3A_427 = arith.sitofp %convert_element_type3A_426 : vector<111x56xi32> to vector<111x56xf32>
    %dot_general3A_428 = arith.constant dense<0.000000e+00> : vector<111x56xf32>
    %dot_general3A_429 = tpu.matmul %slice3A_363, %convert_element_type3A_427, %dot_general3A_428 {dimension_numbers = #tpu.dot_dimension_numbers<[1], [0], [0], [1], [0, 0, 1, 1], [], []>, precision = #tpu.contract_precision<fp32>, transpose_lhs_hint = false} : vector<111x111xf32>, vector<111x56xf32>, vector<111x56xf32> -> vector<111x56xf32>
    %concatenate3A_430 = tpu.concatenate %max3A_380, %dot_general3A_429 in 1 : vector<111x128xf32>, vector<111x56xf32> -> vector<111x184xf32>
    %dot_general3A_431 = arith.constant dense<0.000000e+00> : vector<56x184xf32>
    %dot_general3A_432 = tpu.matmul %convert_element_type3A_427, %concatenate3A_430, %dot_general3A_431 {dimension_numbers = #tpu.dot_dimension_numbers<[0], [0], [1], [1], [0, 1, 1, 1], [], []>, precision = #tpu.contract_precision<fp32>, transpose_lhs_hint = false} : vector<111x56xf32>, vector<111x184xf32>, vector<56x184xf32> -> vector<56x184xf32>
    %slice3A_433 = vector.extract_strided_slice %dot_general3A_432 {offsets = [0, 0], sizes = [56, 128], strides = [1, 1]} : vector<56x184xf32> to vector<56x128xf32>
    %slice3A_434 = vector.extract_strided_slice %dot_general3A_432 {offsets = [0, 128], sizes = [56, 56], strides = [1, 1]} : vector<56x184xf32> to vector<56x56xf32>
    %reduce_max3A_435 = arith.constant dense<0xFF800000> : vector<128xf32>
    %reduce_max3A_436 = vector.multi_reduction <maximumf>, %slice3A_433, %reduce_max3A_435 [0] : vector<56x128xf32> to vector<128xf32>
    %broadcast_in_dim3A_437 = vector.shape_cast %reduce_max3A_436 : vector<128xf32> to vector<1x128xf32>
    %reduce_sum3A_438 = arith.constant dense<0.000000e+00> : vector<128xf32>
    %reduce_sum3A_439 = vector.multi_reduction <add>, %slice3A_433, %reduce_sum3A_438 [0] : vector<56x128xf32> to vector<128xf32>
    %broadcast_in_dim3A_440 = vector.shape_cast %reduce_sum3A_439 : vector<128xf32> to vector<1x128xf32>
    %div3A_441 = arith.constant 5.600000e+01 : f32
    %div3A_442 = vector.broadcast %div3A_441 : f32 to vector<1x128xf32>
    %div3A_443 = arith.divf %broadcast_in_dim3A_440, %div3A_442 : vector<1x128xf32>
    %concatenate3A_444 = tpu.concatenate %broadcast_in_dim3A_437, %div3A_443 in 1 : vector<1x128xf32>, vector<1x128xf32> -> vector<1x256xf32>
    %slice3A_445 = vector.extract_strided_slice %dot_general3A_21 {offsets = [555, 0], sizes = [111, 128], strides = [1, 1]} : vector<888x128xf32> to vector<111x128xf32>
    %get3A_446 = arith.constant 5 : index
    %get3A_447 = arith.constant 0 : index
    %get3A_448 = arith.constant 0 : index
    %get3A_449 = vector.load %arg2[%get3A_446, %get3A_447, %get3A_448] : memref<8x111x112xf32, #tpu.memory_space<vmem>>, vector<1x111x112xf32>
    %get3A_450 = vector.shape_cast %get3A_449 : vector<1x111x112xf32> to vector<111x112xf32>
    %slice3A_451 = vector.extract_strided_slice %get3A_450 {offsets = [0, 0], sizes = [111, 111], strides = [1, 1]} : vector<111x112xf32> to vector<111x111xf32>
    %reduce_sum3A_452 = arith.constant dense<0.000000e+00> : vector<111xf32>
    %reduce_sum3A_453 = vector.multi_reduction <add>, %slice3A_451, %reduce_sum3A_452 [1] : vector<111x111xf32> to vector<111xf32>
    %broadcast_in_dim3A_454 = vector.shape_cast %reduce_sum3A_453 : vector<111xf32> to vector<111x1xf32>
    %add3A_455 = arith.constant 1.000000e+00 : f32
    %add3A_456 = vector.broadcast %add3A_455 : f32 to vector<111x1xf32>
    %add3A_457 = arith.addf %broadcast_in_dim3A_454, %add3A_456 : vector<111x1xf32>
    %rsqrt3A_458 = math.rsqrt %add3A_457 : vector<111x1xf32>
    %mul3A_459 = vector.broadcast %rsqrt3A_458 : vector<111x1xf32> to vector<111x128xf32>
    %mul3A_460 = arith.mulf %mul3A_459, %slice3A_445 : vector<111x128xf32>
    %dot_general3A_461 = arith.constant dense<0.000000e+00> : vector<111x128xf32>
    %dot_general3A_462 = tpu.matmul %slice3A_451, %mul3A_460, %dot_general3A_461 {dimension_numbers = #tpu.dot_dimension_numbers<[1], [0], [0], [1], [0, 0, 1, 1], [], []>, precision = #tpu.contract_precision<fp32>, transpose_lhs_hint = false} : vector<111x111xf32>, vector<111x128xf32>, vector<111x128xf32> -> vector<111x128xf32>
    %add3A_463 = arith.addf %dot_general3A_462, %mul3A_460 : vector<111x128xf32>
    %mul3A_464 = vector.broadcast %rsqrt3A_458 : vector<111x1xf32> to vector<111x128xf32>
    %mul3A_465 = arith.mulf %mul3A_464, %add3A_463 : vector<111x128xf32>
    %max3A_466 = arith.constant 0.000000e+00 : f32
    %max3A_467 = vector.broadcast %max3A_466 : f32 to vector<111x128xf32>
    %max3A_468 = arith.maximumf %mul3A_465, %max3A_467 : vector<111x128xf32>
    %dot_general3A_469 = arith.constant dense<0.000000e+00> : vector<111x128xf32>
    %dot_general3A_470 = tpu.matmul %slice3A_451, %max3A_468, %dot_general3A_469 {dimension_numbers = #tpu.dot_dimension_numbers<[1], [0], [0], [1], [0, 0, 1, 1], [], []>, precision = #tpu.contract_precision<fp32>, transpose_lhs_hint = false} : vector<111x111xf32>, vector<111x128xf32>, vector<111x128xf32> -> vector<111x128xf32>
    %add3A_471 = arith.constant 1.000000e-10 : f32
    %add3A_472 = vector.broadcast %add3A_471 : f32 to vector<111x1xf32>
    %add3A_473 = arith.addf %broadcast_in_dim3A_454, %add3A_472 : vector<111x1xf32>
    %div3A_474 = vector.broadcast %add3A_473 : vector<111x1xf32> to vector<111x128xf32>
    %div3A_475 = arith.divf %dot_general3A_470, %div3A_474 : vector<111x128xf32>
    %sub3A_476 = arith.subf %max3A_468, %div3A_475 : vector<111x128xf32>
    %abs3A_477 = math.absf %sub3A_476 : vector<111x128xf32>
    %reduce_sum3A_478 = arith.constant dense<0.000000e+00> : vector<111xf32>
    %reduce_sum3A_479 = vector.multi_reduction <add>, %abs3A_477, %reduce_sum3A_478 [1] : vector<111x128xf32> to vector<111xf32>
    %broadcast_in_dim3A_480 = vector.shape_cast %reduce_sum3A_479 : vector<111xf32> to vector<111x1xf32>
    %transpose3A_481 = tpu.transpose %broadcast_in_dim3A_480, [1, 0] : vector<111x1xf32> -> vector<1x111xf32>
    %gt3A_482 = vector.broadcast %transpose3A_481 : vector<1x111xf32> to vector<111x111xf32>
    %gt3A_483 = vector.broadcast %broadcast_in_dim3A_480 : vector<111x1xf32> to vector<111x111xf32>
    %gt3A_484 = arith.cmpf ogt, %gt3A_482, %gt3A_483 : vector<111x111xf32>
    %eq3A_485 = vector.broadcast %transpose3A_481 : vector<1x111xf32> to vector<111x111xf32>
    %eq3A_486 = vector.broadcast %broadcast_in_dim3A_480 : vector<111x1xf32> to vector<111x111xf32>
    %eq3A_487 = arith.cmpf oeq, %eq3A_485, %eq3A_486 : vector<111x111xf32>
    %and3A_488 = arith.andi %eq3A_487, %lt3A : vector<111x111xi1>
    %or3A_489 = arith.ori %gt3A_484, %and3A_488 : vector<111x111xi1>
    %convert_element_type3A_490 = arith.extui %or3A_489 : vector<111x111xi1> to vector<111x111xi32>
    %convert_element_type3A_491 = arith.sitofp %convert_element_type3A_490 : vector<111x111xi32> to vector<111x111xf32>
    %reduce_sum3A_492 = arith.constant dense<0.000000e+00> : vector<111xf32>
    %reduce_sum3A_493 = vector.multi_reduction <add>, %convert_element_type3A_491, %reduce_sum3A_492 [1] : vector<111x111xf32> to vector<111xf32>
    %broadcast_in_dim3A_494 = vector.shape_cast %reduce_sum3A_493 : vector<111xf32> to vector<111x1xf32>
    %lt3A_495 = arith.constant 5.600000e+01 : f32
    %lt3A_496 = vector.broadcast %lt3A_495 : f32 to vector<111x1xf32>
    %lt3A_497 = arith.cmpf olt, %broadcast_in_dim3A_494, %lt3A_496 : vector<111x1xf32>
    %convert_element_type3A_498 = arith.extui %lt3A_497 : vector<111x1xi1> to vector<111x1xi32>
    %convert_element_type3A_499 = arith.sitofp %convert_element_type3A_498 : vector<111x1xi32> to vector<111x1xf32>
    %dot_general3A_500 = arith.constant dense<0.000000e+00> : vector<111x1xf32>
    %dot_general3A_501 = tpu.matmul %convert_element_type3A_10, %convert_element_type3A_499, %dot_general3A_500 {dimension_numbers = #tpu.dot_dimension_numbers<[1], [0], [0], [1], [0, 0, 1, 1], [], []>, transpose_lhs_hint = false} : vector<111x111xf32>, vector<111x1xf32>, vector<111x1xf32> -> vector<111x1xf32>
    %sub3A_502 = arith.constant 1.000000e+00 : f32
    %sub3A_503 = vector.broadcast %sub3A_502 : f32 to vector<111x1xf32>
    %sub3A_504 = arith.subf %dot_general3A_501, %sub3A_503 : vector<111x1xf32>
    %iota3A_505 = tpu.iota {dimensions = array<i32: 1>} : vector<111x56xi32>
    %convert_element_type3A_506 = arith.fptosi %sub3A_504 : vector<111x1xf32> to vector<111x1xi32>
    %eq3A_507 = vector.broadcast %convert_element_type3A_506 : vector<111x1xi32> to vector<111x56xi32>
    %eq3A_508 = arith.cmpi eq, %eq3A_507, %iota3A_505 : vector<111x56xi32>
    %gt3A_509 = arith.constant 0.000000e+00 : f32
    %gt3A_510 = vector.broadcast %gt3A_509 : f32 to vector<111x1xf32>
    %gt3A_511 = arith.cmpf ogt, %convert_element_type3A_499, %gt3A_510 : vector<111x1xf32>
    %and3A_512 = vector.broadcast %gt3A_511 : vector<111x1xi1> to vector<111x56xi1>
    %and3A_513 = arith.andi %eq3A_508, %and3A_512 : vector<111x56xi1>
    %convert_element_type3A_514 = arith.extui %and3A_513 : vector<111x56xi1> to vector<111x56xi32>
    %convert_element_type3A_515 = arith.sitofp %convert_element_type3A_514 : vector<111x56xi32> to vector<111x56xf32>
    %dot_general3A_516 = arith.constant dense<0.000000e+00> : vector<111x56xf32>
    %dot_general3A_517 = tpu.matmul %slice3A_451, %convert_element_type3A_515, %dot_general3A_516 {dimension_numbers = #tpu.dot_dimension_numbers<[1], [0], [0], [1], [0, 0, 1, 1], [], []>, precision = #tpu.contract_precision<fp32>, transpose_lhs_hint = false} : vector<111x111xf32>, vector<111x56xf32>, vector<111x56xf32> -> vector<111x56xf32>
    %concatenate3A_518 = tpu.concatenate %max3A_468, %dot_general3A_517 in 1 : vector<111x128xf32>, vector<111x56xf32> -> vector<111x184xf32>
    %dot_general3A_519 = arith.constant dense<0.000000e+00> : vector<56x184xf32>
    %dot_general3A_520 = tpu.matmul %convert_element_type3A_515, %concatenate3A_518, %dot_general3A_519 {dimension_numbers = #tpu.dot_dimension_numbers<[0], [0], [1], [1], [0, 1, 1, 1], [], []>, precision = #tpu.contract_precision<fp32>, transpose_lhs_hint = false} : vector<111x56xf32>, vector<111x184xf32>, vector<56x184xf32> -> vector<56x184xf32>
    %slice3A_521 = vector.extract_strided_slice %dot_general3A_520 {offsets = [0, 0], sizes = [56, 128], strides = [1, 1]} : vector<56x184xf32> to vector<56x128xf32>
    %slice3A_522 = vector.extract_strided_slice %dot_general3A_520 {offsets = [0, 128], sizes = [56, 56], strides = [1, 1]} : vector<56x184xf32> to vector<56x56xf32>
    %reduce_max3A_523 = arith.constant dense<0xFF800000> : vector<128xf32>
    %reduce_max3A_524 = vector.multi_reduction <maximumf>, %slice3A_521, %reduce_max3A_523 [0] : vector<56x128xf32> to vector<128xf32>
    %broadcast_in_dim3A_525 = vector.shape_cast %reduce_max3A_524 : vector<128xf32> to vector<1x128xf32>
    %reduce_sum3A_526 = arith.constant dense<0.000000e+00> : vector<128xf32>
    %reduce_sum3A_527 = vector.multi_reduction <add>, %slice3A_521, %reduce_sum3A_526 [0] : vector<56x128xf32> to vector<128xf32>
    %broadcast_in_dim3A_528 = vector.shape_cast %reduce_sum3A_527 : vector<128xf32> to vector<1x128xf32>
    %div3A_529 = arith.constant 5.600000e+01 : f32
    %div3A_530 = vector.broadcast %div3A_529 : f32 to vector<1x128xf32>
    %div3A_531 = arith.divf %broadcast_in_dim3A_528, %div3A_530 : vector<1x128xf32>
    %concatenate3A_532 = tpu.concatenate %broadcast_in_dim3A_525, %div3A_531 in 1 : vector<1x128xf32>, vector<1x128xf32> -> vector<1x256xf32>
    %slice3A_533 = vector.extract_strided_slice %dot_general3A_21 {offsets = [666, 0], sizes = [111, 128], strides = [1, 1]} : vector<888x128xf32> to vector<111x128xf32>
    %get3A_534 = arith.constant 6 : index
    %get3A_535 = arith.constant 0 : index
    %get3A_536 = arith.constant 0 : index
    %get3A_537 = vector.load %arg2[%get3A_534, %get3A_535, %get3A_536] : memref<8x111x112xf32, #tpu.memory_space<vmem>>, vector<1x111x112xf32>
    %get3A_538 = vector.shape_cast %get3A_537 : vector<1x111x112xf32> to vector<111x112xf32>
    %slice3A_539 = vector.extract_strided_slice %get3A_538 {offsets = [0, 0], sizes = [111, 111], strides = [1, 1]} : vector<111x112xf32> to vector<111x111xf32>
    %reduce_sum3A_540 = arith.constant dense<0.000000e+00> : vector<111xf32>
    %reduce_sum3A_541 = vector.multi_reduction <add>, %slice3A_539, %reduce_sum3A_540 [1] : vector<111x111xf32> to vector<111xf32>
    %broadcast_in_dim3A_542 = vector.shape_cast %reduce_sum3A_541 : vector<111xf32> to vector<111x1xf32>
    %add3A_543 = arith.constant 1.000000e+00 : f32
    %add3A_544 = vector.broadcast %add3A_543 : f32 to vector<111x1xf32>
    %add3A_545 = arith.addf %broadcast_in_dim3A_542, %add3A_544 : vector<111x1xf32>
    %rsqrt3A_546 = math.rsqrt %add3A_545 : vector<111x1xf32>
    %mul3A_547 = vector.broadcast %rsqrt3A_546 : vector<111x1xf32> to vector<111x128xf32>
    %mul3A_548 = arith.mulf %mul3A_547, %slice3A_533 : vector<111x128xf32>
    %dot_general3A_549 = arith.constant dense<0.000000e+00> : vector<111x128xf32>
    %dot_general3A_550 = tpu.matmul %slice3A_539, %mul3A_548, %dot_general3A_549 {dimension_numbers = #tpu.dot_dimension_numbers<[1], [0], [0], [1], [0, 0, 1, 1], [], []>, precision = #tpu.contract_precision<fp32>, transpose_lhs_hint = false} : vector<111x111xf32>, vector<111x128xf32>, vector<111x128xf32> -> vector<111x128xf32>
    %add3A_551 = arith.addf %dot_general3A_550, %mul3A_548 : vector<111x128xf32>
    %mul3A_552 = vector.broadcast %rsqrt3A_546 : vector<111x1xf32> to vector<111x128xf32>
    %mul3A_553 = arith.mulf %mul3A_552, %add3A_551 : vector<111x128xf32>
    %max3A_554 = arith.constant 0.000000e+00 : f32
    %max3A_555 = vector.broadcast %max3A_554 : f32 to vector<111x128xf32>
    %max3A_556 = arith.maximumf %mul3A_553, %max3A_555 : vector<111x128xf32>
    %dot_general3A_557 = arith.constant dense<0.000000e+00> : vector<111x128xf32>
    %dot_general3A_558 = tpu.matmul %slice3A_539, %max3A_556, %dot_general3A_557 {dimension_numbers = #tpu.dot_dimension_numbers<[1], [0], [0], [1], [0, 0, 1, 1], [], []>, precision = #tpu.contract_precision<fp32>, transpose_lhs_hint = false} : vector<111x111xf32>, vector<111x128xf32>, vector<111x128xf32> -> vector<111x128xf32>
    %add3A_559 = arith.constant 1.000000e-10 : f32
    %add3A_560 = vector.broadcast %add3A_559 : f32 to vector<111x1xf32>
    %add3A_561 = arith.addf %broadcast_in_dim3A_542, %add3A_560 : vector<111x1xf32>
    %div3A_562 = vector.broadcast %add3A_561 : vector<111x1xf32> to vector<111x128xf32>
    %div3A_563 = arith.divf %dot_general3A_558, %div3A_562 : vector<111x128xf32>
    %sub3A_564 = arith.subf %max3A_556, %div3A_563 : vector<111x128xf32>
    %abs3A_565 = math.absf %sub3A_564 : vector<111x128xf32>
    %reduce_sum3A_566 = arith.constant dense<0.000000e+00> : vector<111xf32>
    %reduce_sum3A_567 = vector.multi_reduction <add>, %abs3A_565, %reduce_sum3A_566 [1] : vector<111x128xf32> to vector<111xf32>
    %broadcast_in_dim3A_568 = vector.shape_cast %reduce_sum3A_567 : vector<111xf32> to vector<111x1xf32>
    %transpose3A_569 = tpu.transpose %broadcast_in_dim3A_568, [1, 0] : vector<111x1xf32> -> vector<1x111xf32>
    %gt3A_570 = vector.broadcast %transpose3A_569 : vector<1x111xf32> to vector<111x111xf32>
    %gt3A_571 = vector.broadcast %broadcast_in_dim3A_568 : vector<111x1xf32> to vector<111x111xf32>
    %gt3A_572 = arith.cmpf ogt, %gt3A_570, %gt3A_571 : vector<111x111xf32>
    %eq3A_573 = vector.broadcast %transpose3A_569 : vector<1x111xf32> to vector<111x111xf32>
    %eq3A_574 = vector.broadcast %broadcast_in_dim3A_568 : vector<111x1xf32> to vector<111x111xf32>
    %eq3A_575 = arith.cmpf oeq, %eq3A_573, %eq3A_574 : vector<111x111xf32>
    %and3A_576 = arith.andi %eq3A_575, %lt3A : vector<111x111xi1>
    %or3A_577 = arith.ori %gt3A_572, %and3A_576 : vector<111x111xi1>
    %convert_element_type3A_578 = arith.extui %or3A_577 : vector<111x111xi1> to vector<111x111xi32>
    %convert_element_type3A_579 = arith.sitofp %convert_element_type3A_578 : vector<111x111xi32> to vector<111x111xf32>
    %reduce_sum3A_580 = arith.constant dense<0.000000e+00> : vector<111xf32>
    %reduce_sum3A_581 = vector.multi_reduction <add>, %convert_element_type3A_579, %reduce_sum3A_580 [1] : vector<111x111xf32> to vector<111xf32>
    %broadcast_in_dim3A_582 = vector.shape_cast %reduce_sum3A_581 : vector<111xf32> to vector<111x1xf32>
    %lt3A_583 = arith.constant 5.600000e+01 : f32
    %lt3A_584 = vector.broadcast %lt3A_583 : f32 to vector<111x1xf32>
    %lt3A_585 = arith.cmpf olt, %broadcast_in_dim3A_582, %lt3A_584 : vector<111x1xf32>
    %convert_element_type3A_586 = arith.extui %lt3A_585 : vector<111x1xi1> to vector<111x1xi32>
    %convert_element_type3A_587 = arith.sitofp %convert_element_type3A_586 : vector<111x1xi32> to vector<111x1xf32>
    %dot_general3A_588 = arith.constant dense<0.000000e+00> : vector<111x1xf32>
    %dot_general3A_589 = tpu.matmul %convert_element_type3A_10, %convert_element_type3A_587, %dot_general3A_588 {dimension_numbers = #tpu.dot_dimension_numbers<[1], [0], [0], [1], [0, 0, 1, 1], [], []>, transpose_lhs_hint = false} : vector<111x111xf32>, vector<111x1xf32>, vector<111x1xf32> -> vector<111x1xf32>
    %sub3A_590 = arith.constant 1.000000e+00 : f32
    %sub3A_591 = vector.broadcast %sub3A_590 : f32 to vector<111x1xf32>
    %sub3A_592 = arith.subf %dot_general3A_589, %sub3A_591 : vector<111x1xf32>
    %iota3A_593 = tpu.iota {dimensions = array<i32: 1>} : vector<111x56xi32>
    %convert_element_type3A_594 = arith.fptosi %sub3A_592 : vector<111x1xf32> to vector<111x1xi32>
    %eq3A_595 = vector.broadcast %convert_element_type3A_594 : vector<111x1xi32> to vector<111x56xi32>
    %eq3A_596 = arith.cmpi eq, %eq3A_595, %iota3A_593 : vector<111x56xi32>
    %gt3A_597 = arith.constant 0.000000e+00 : f32
    %gt3A_598 = vector.broadcast %gt3A_597 : f32 to vector<111x1xf32>
    %gt3A_599 = arith.cmpf ogt, %convert_element_type3A_587, %gt3A_598 : vector<111x1xf32>
    %and3A_600 = vector.broadcast %gt3A_599 : vector<111x1xi1> to vector<111x56xi1>
    %and3A_601 = arith.andi %eq3A_596, %and3A_600 : vector<111x56xi1>
    %convert_element_type3A_602 = arith.extui %and3A_601 : vector<111x56xi1> to vector<111x56xi32>
    %convert_element_type3A_603 = arith.sitofp %convert_element_type3A_602 : vector<111x56xi32> to vector<111x56xf32>
    %dot_general3A_604 = arith.constant dense<0.000000e+00> : vector<111x56xf32>
    %dot_general3A_605 = tpu.matmul %slice3A_539, %convert_element_type3A_603, %dot_general3A_604 {dimension_numbers = #tpu.dot_dimension_numbers<[1], [0], [0], [1], [0, 0, 1, 1], [], []>, precision = #tpu.contract_precision<fp32>, transpose_lhs_hint = false} : vector<111x111xf32>, vector<111x56xf32>, vector<111x56xf32> -> vector<111x56xf32>
    %concatenate3A_606 = tpu.concatenate %max3A_556, %dot_general3A_605 in 1 : vector<111x128xf32>, vector<111x56xf32> -> vector<111x184xf32>
    %dot_general3A_607 = arith.constant dense<0.000000e+00> : vector<56x184xf32>
    %dot_general3A_608 = tpu.matmul %convert_element_type3A_603, %concatenate3A_606, %dot_general3A_607 {dimension_numbers = #tpu.dot_dimension_numbers<[0], [0], [1], [1], [0, 1, 1, 1], [], []>, precision = #tpu.contract_precision<fp32>, transpose_lhs_hint = false} : vector<111x56xf32>, vector<111x184xf32>, vector<56x184xf32> -> vector<56x184xf32>
    %slice3A_609 = vector.extract_strided_slice %dot_general3A_608 {offsets = [0, 0], sizes = [56, 128], strides = [1, 1]} : vector<56x184xf32> to vector<56x128xf32>
    %slice3A_610 = vector.extract_strided_slice %dot_general3A_608 {offsets = [0, 128], sizes = [56, 56], strides = [1, 1]} : vector<56x184xf32> to vector<56x56xf32>
    %reduce_max3A_611 = arith.constant dense<0xFF800000> : vector<128xf32>
    %reduce_max3A_612 = vector.multi_reduction <maximumf>, %slice3A_609, %reduce_max3A_611 [0] : vector<56x128xf32> to vector<128xf32>
    %broadcast_in_dim3A_613 = vector.shape_cast %reduce_max3A_612 : vector<128xf32> to vector<1x128xf32>
    %reduce_sum3A_614 = arith.constant dense<0.000000e+00> : vector<128xf32>
    %reduce_sum3A_615 = vector.multi_reduction <add>, %slice3A_609, %reduce_sum3A_614 [0] : vector<56x128xf32> to vector<128xf32>
    %broadcast_in_dim3A_616 = vector.shape_cast %reduce_sum3A_615 : vector<128xf32> to vector<1x128xf32>
    %div3A_617 = arith.constant 5.600000e+01 : f32
    %div3A_618 = vector.broadcast %div3A_617 : f32 to vector<1x128xf32>
    %div3A_619 = arith.divf %broadcast_in_dim3A_616, %div3A_618 : vector<1x128xf32>
    %concatenate3A_620 = tpu.concatenate %broadcast_in_dim3A_613, %div3A_619 in 1 : vector<1x128xf32>, vector<1x128xf32> -> vector<1x256xf32>
    %slice3A_621 = vector.extract_strided_slice %dot_general3A_21 {offsets = [777, 0], sizes = [111, 128], strides = [1, 1]} : vector<888x128xf32> to vector<111x128xf32>
    %get3A_622 = arith.constant 7 : index
    %get3A_623 = arith.constant 0 : index
    %get3A_624 = arith.constant 0 : index
    %get3A_625 = vector.load %arg2[%get3A_622, %get3A_623, %get3A_624] : memref<8x111x112xf32, #tpu.memory_space<vmem>>, vector<1x111x112xf32>
    %get3A_626 = vector.shape_cast %get3A_625 : vector<1x111x112xf32> to vector<111x112xf32>
    %slice3A_627 = vector.extract_strided_slice %get3A_626 {offsets = [0, 0], sizes = [111, 111], strides = [1, 1]} : vector<111x112xf32> to vector<111x111xf32>
    %reduce_sum3A_628 = arith.constant dense<0.000000e+00> : vector<111xf32>
    %reduce_sum3A_629 = vector.multi_reduction <add>, %slice3A_627, %reduce_sum3A_628 [1] : vector<111x111xf32> to vector<111xf32>
    %broadcast_in_dim3A_630 = vector.shape_cast %reduce_sum3A_629 : vector<111xf32> to vector<111x1xf32>
    %add3A_631 = arith.constant 1.000000e+00 : f32
    %add3A_632 = vector.broadcast %add3A_631 : f32 to vector<111x1xf32>
    %add3A_633 = arith.addf %broadcast_in_dim3A_630, %add3A_632 : vector<111x1xf32>
    %rsqrt3A_634 = math.rsqrt %add3A_633 : vector<111x1xf32>
    %mul3A_635 = vector.broadcast %rsqrt3A_634 : vector<111x1xf32> to vector<111x128xf32>
    %mul3A_636 = arith.mulf %mul3A_635, %slice3A_621 : vector<111x128xf32>
    %dot_general3A_637 = arith.constant dense<0.000000e+00> : vector<111x128xf32>
    %dot_general3A_638 = tpu.matmul %slice3A_627, %mul3A_636, %dot_general3A_637 {dimension_numbers = #tpu.dot_dimension_numbers<[1], [0], [0], [1], [0, 0, 1, 1], [], []>, precision = #tpu.contract_precision<fp32>, transpose_lhs_hint = false} : vector<111x111xf32>, vector<111x128xf32>, vector<111x128xf32> -> vector<111x128xf32>
    %add3A_639 = arith.addf %dot_general3A_638, %mul3A_636 : vector<111x128xf32>
    %mul3A_640 = vector.broadcast %rsqrt3A_634 : vector<111x1xf32> to vector<111x128xf32>
    %mul3A_641 = arith.mulf %mul3A_640, %add3A_639 : vector<111x128xf32>
    %max3A_642 = arith.constant 0.000000e+00 : f32
    %max3A_643 = vector.broadcast %max3A_642 : f32 to vector<111x128xf32>
    %max3A_644 = arith.maximumf %mul3A_641, %max3A_643 : vector<111x128xf32>
    %dot_general3A_645 = arith.constant dense<0.000000e+00> : vector<111x128xf32>
    %dot_general3A_646 = tpu.matmul %slice3A_627, %max3A_644, %dot_general3A_645 {dimension_numbers = #tpu.dot_dimension_numbers<[1], [0], [0], [1], [0, 0, 1, 1], [], []>, precision = #tpu.contract_precision<fp32>, transpose_lhs_hint = false} : vector<111x111xf32>, vector<111x128xf32>, vector<111x128xf32> -> vector<111x128xf32>
    %add3A_647 = arith.constant 1.000000e-10 : f32
    %add3A_648 = vector.broadcast %add3A_647 : f32 to vector<111x1xf32>
    %add3A_649 = arith.addf %broadcast_in_dim3A_630, %add3A_648 : vector<111x1xf32>
    %div3A_650 = vector.broadcast %add3A_649 : vector<111x1xf32> to vector<111x128xf32>
    %div3A_651 = arith.divf %dot_general3A_646, %div3A_650 : vector<111x128xf32>
    %sub3A_652 = arith.subf %max3A_644, %div3A_651 : vector<111x128xf32>
    %abs3A_653 = math.absf %sub3A_652 : vector<111x128xf32>
    %reduce_sum3A_654 = arith.constant dense<0.000000e+00> : vector<111xf32>
    %reduce_sum3A_655 = vector.multi_reduction <add>, %abs3A_653, %reduce_sum3A_654 [1] : vector<111x128xf32> to vector<111xf32>
    %broadcast_in_dim3A_656 = vector.shape_cast %reduce_sum3A_655 : vector<111xf32> to vector<111x1xf32>
    %transpose3A_657 = tpu.transpose %broadcast_in_dim3A_656, [1, 0] : vector<111x1xf32> -> vector<1x111xf32>
    %gt3A_658 = vector.broadcast %transpose3A_657 : vector<1x111xf32> to vector<111x111xf32>
    %gt3A_659 = vector.broadcast %broadcast_in_dim3A_656 : vector<111x1xf32> to vector<111x111xf32>
    %gt3A_660 = arith.cmpf ogt, %gt3A_658, %gt3A_659 : vector<111x111xf32>
    %eq3A_661 = vector.broadcast %transpose3A_657 : vector<1x111xf32> to vector<111x111xf32>
    %eq3A_662 = vector.broadcast %broadcast_in_dim3A_656 : vector<111x1xf32> to vector<111x111xf32>
    %eq3A_663 = arith.cmpf oeq, %eq3A_661, %eq3A_662 : vector<111x111xf32>
    %and3A_664 = arith.andi %eq3A_663, %lt3A : vector<111x111xi1>
    %or3A_665 = arith.ori %gt3A_660, %and3A_664 : vector<111x111xi1>
    %convert_element_type3A_666 = arith.extui %or3A_665 : vector<111x111xi1> to vector<111x111xi32>
    %convert_element_type3A_667 = arith.sitofp %convert_element_type3A_666 : vector<111x111xi32> to vector<111x111xf32>
    %reduce_sum3A_668 = arith.constant dense<0.000000e+00> : vector<111xf32>
    %reduce_sum3A_669 = vector.multi_reduction <add>, %convert_element_type3A_667, %reduce_sum3A_668 [1] : vector<111x111xf32> to vector<111xf32>
    %broadcast_in_dim3A_670 = vector.shape_cast %reduce_sum3A_669 : vector<111xf32> to vector<111x1xf32>
    %lt3A_671 = arith.constant 5.600000e+01 : f32
    %lt3A_672 = vector.broadcast %lt3A_671 : f32 to vector<111x1xf32>
    %lt3A_673 = arith.cmpf olt, %broadcast_in_dim3A_670, %lt3A_672 : vector<111x1xf32>
    %convert_element_type3A_674 = arith.extui %lt3A_673 : vector<111x1xi1> to vector<111x1xi32>
    %convert_element_type3A_675 = arith.sitofp %convert_element_type3A_674 : vector<111x1xi32> to vector<111x1xf32>
    %dot_general3A_676 = arith.constant dense<0.000000e+00> : vector<111x1xf32>
    %dot_general3A_677 = tpu.matmul %convert_element_type3A_10, %convert_element_type3A_675, %dot_general3A_676 {dimension_numbers = #tpu.dot_dimension_numbers<[1], [0], [0], [1], [0, 0, 1, 1], [], []>, transpose_lhs_hint = false} : vector<111x111xf32>, vector<111x1xf32>, vector<111x1xf32> -> vector<111x1xf32>
    %sub3A_678 = arith.constant 1.000000e+00 : f32
    %sub3A_679 = vector.broadcast %sub3A_678 : f32 to vector<111x1xf32>
    %sub3A_680 = arith.subf %dot_general3A_677, %sub3A_679 : vector<111x1xf32>
    %iota3A_681 = tpu.iota {dimensions = array<i32: 1>} : vector<111x56xi32>
    %convert_element_type3A_682 = arith.fptosi %sub3A_680 : vector<111x1xf32> to vector<111x1xi32>
    %eq3A_683 = vector.broadcast %convert_element_type3A_682 : vector<111x1xi32> to vector<111x56xi32>
    %eq3A_684 = arith.cmpi eq, %eq3A_683, %iota3A_681 : vector<111x56xi32>
    %gt3A_685 = arith.constant 0.000000e+00 : f32
    %gt3A_686 = vector.broadcast %gt3A_685 : f32 to vector<111x1xf32>
    %gt3A_687 = arith.cmpf ogt, %convert_element_type3A_675, %gt3A_686 : vector<111x1xf32>
    %and3A_688 = vector.broadcast %gt3A_687 : vector<111x1xi1> to vector<111x56xi1>
    %and3A_689 = arith.andi %eq3A_684, %and3A_688 : vector<111x56xi1>
    %convert_element_type3A_690 = arith.extui %and3A_689 : vector<111x56xi1> to vector<111x56xi32>
    %convert_element_type3A_691 = arith.sitofp %convert_element_type3A_690 : vector<111x56xi32> to vector<111x56xf32>
    %dot_general3A_692 = arith.constant dense<0.000000e+00> : vector<111x56xf32>
    %dot_general3A_693 = tpu.matmul %slice3A_627, %convert_element_type3A_691, %dot_general3A_692 {dimension_numbers = #tpu.dot_dimension_numbers<[1], [0], [0], [1], [0, 0, 1, 1], [], []>, precision = #tpu.contract_precision<fp32>, transpose_lhs_hint = false} : vector<111x111xf32>, vector<111x56xf32>, vector<111x56xf32> -> vector<111x56xf32>
    %concatenate3A_694 = tpu.concatenate %max3A_644, %dot_general3A_693 in 1 : vector<111x128xf32>, vector<111x56xf32> -> vector<111x184xf32>
    %dot_general3A_695 = arith.constant dense<0.000000e+00> : vector<56x184xf32>
    %dot_general3A_696 = tpu.matmul %convert_element_type3A_691, %concatenate3A_694, %dot_general3A_695 {dimension_numbers = #tpu.dot_dimension_numbers<[0], [0], [1], [1], [0, 1, 1, 1], [], []>, precision = #tpu.contract_precision<fp32>, transpose_lhs_hint = false} : vector<111x56xf32>, vector<111x184xf32>, vector<56x184xf32> -> vector<56x184xf32>
    %slice3A_697 = vector.extract_strided_slice %dot_general3A_696 {offsets = [0, 0], sizes = [56, 128], strides = [1, 1]} : vector<56x184xf32> to vector<56x128xf32>
    %slice3A_698 = vector.extract_strided_slice %dot_general3A_696 {offsets = [0, 128], sizes = [56, 56], strides = [1, 1]} : vector<56x184xf32> to vector<56x56xf32>
    %reduce_max3A_699 = arith.constant dense<0xFF800000> : vector<128xf32>
    %reduce_max3A_700 = vector.multi_reduction <maximumf>, %slice3A_697, %reduce_max3A_699 [0] : vector<56x128xf32> to vector<128xf32>
    %broadcast_in_dim3A_701 = vector.shape_cast %reduce_max3A_700 : vector<128xf32> to vector<1x128xf32>
    %reduce_sum3A_702 = arith.constant dense<0.000000e+00> : vector<128xf32>
    %reduce_sum3A_703 = vector.multi_reduction <add>, %slice3A_697, %reduce_sum3A_702 [0] : vector<56x128xf32> to vector<128xf32>
    %broadcast_in_dim3A_704 = vector.shape_cast %reduce_sum3A_703 : vector<128xf32> to vector<1x128xf32>
    %div3A_705 = arith.constant 5.600000e+01 : f32
    %div3A_706 = vector.broadcast %div3A_705 : f32 to vector<1x128xf32>
    %div3A_707 = arith.divf %broadcast_in_dim3A_704, %div3A_706 : vector<1x128xf32>
    %concatenate3A_708 = tpu.concatenate %broadcast_in_dim3A_701, %div3A_707 in 1 : vector<1x128xf32>, vector<1x128xf32> -> vector<1x256xf32>
    %concatenate3A_709 = tpu.concatenate %slice3A_82, %slice3A_169, %slice3A_257, %slice3A_345, %slice3A_433, %slice3A_521, %slice3A_609, %slice3A_697 in 0 : vector<56x128xf32>, vector<56x128xf32>, vector<56x128xf32>, vector<56x128xf32>, vector<56x128xf32>, vector<56x128xf32>, vector<56x128xf32>, vector<56x128xf32> -> vector<448x128xf32>
    %dot_general3A_710 = arith.constant dense<0.000000e+00> : vector<448x128xf32>
    %dot_general3A_711 = tpu.matmul %concatenate3A_709, %get3A_8, %dot_general3A_710 {dimension_numbers = #tpu.dot_dimension_numbers<[1], [0], [0], [1], [0, 0, 1, 1], [], []>, transpose_lhs_hint = false} : vector<448x128xf32>, vector<128x128xf32>, vector<448x128xf32> -> vector<448x128xf32>
    %slice3A_712 = vector.extract_strided_slice %dot_general3A_711 {offsets = [0, 0], sizes = [56, 128], strides = [1, 1]} : vector<448x128xf32> to vector<56x128xf32>
    %reduce_sum3A_713 = arith.constant dense<0.000000e+00> : vector<56xf32>
    %reduce_sum3A_714 = vector.multi_reduction <add>, %slice3A_83, %reduce_sum3A_713 [1] : vector<56x56xf32> to vector<56xf32>
    %broadcast_in_dim3A_715 = vector.shape_cast %reduce_sum3A_714 : vector<56xf32> to vector<56x1xf32>
    %add3A_716 = arith.constant 1.000000e+00 : f32
    %add3A_717 = vector.broadcast %add3A_716 : f32 to vector<56x1xf32>
    %add3A_718 = arith.addf %broadcast_in_dim3A_715, %add3A_717 : vector<56x1xf32>
    %rsqrt3A_719 = math.rsqrt %add3A_718 : vector<56x1xf32>
    %mul3A_720 = vector.broadcast %rsqrt3A_719 : vector<56x1xf32> to vector<56x128xf32>
    %mul3A_721 = arith.mulf %mul3A_720, %slice3A_712 : vector<56x128xf32>
    %dot_general3A_722 = arith.constant dense<0.000000e+00> : vector<56x128xf32>
    %dot_general3A_723 = tpu.matmul %slice3A_83, %mul3A_721, %dot_general3A_722 {dimension_numbers = #tpu.dot_dimension_numbers<[1], [0], [0], [1], [0, 0, 1, 1], [], []>, precision = #tpu.contract_precision<fp32>, transpose_lhs_hint = false} : vector<56x56xf32>, vector<56x128xf32>, vector<56x128xf32> -> vector<56x128xf32>
    %add3A_724 = arith.addf %dot_general3A_723, %mul3A_721 : vector<56x128xf32>
    %mul3A_725 = vector.broadcast %rsqrt3A_719 : vector<56x1xf32> to vector<56x128xf32>
    %mul3A_726 = arith.mulf %mul3A_725, %add3A_724 : vector<56x128xf32>
    %max3A_727 = arith.constant 0.000000e+00 : f32
    %max3A_728 = vector.broadcast %max3A_727 : f32 to vector<56x128xf32>
    %max3A_729 = arith.maximumf %mul3A_726, %max3A_728 : vector<56x128xf32>
    %dot_general3A_730 = arith.constant dense<0.000000e+00> : vector<56x128xf32>
    %dot_general3A_731 = tpu.matmul %slice3A_83, %max3A_729, %dot_general3A_730 {dimension_numbers = #tpu.dot_dimension_numbers<[1], [0], [0], [1], [0, 0, 1, 1], [], []>, precision = #tpu.contract_precision<fp32>, transpose_lhs_hint = false} : vector<56x56xf32>, vector<56x128xf32>, vector<56x128xf32> -> vector<56x128xf32>
    %add3A_732 = arith.constant 1.000000e-10 : f32
    %add3A_733 = vector.broadcast %add3A_732 : f32 to vector<56x1xf32>
    %add3A_734 = arith.addf %broadcast_in_dim3A_715, %add3A_733 : vector<56x1xf32>
    %div3A_735 = vector.broadcast %add3A_734 : vector<56x1xf32> to vector<56x128xf32>
    %div3A_736 = arith.divf %dot_general3A_731, %div3A_735 : vector<56x128xf32>
    %sub3A_737 = arith.subf %max3A_729, %div3A_736 : vector<56x128xf32>
    %abs3A_738 = math.absf %sub3A_737 : vector<56x128xf32>
    %reduce_sum3A_739 = arith.constant dense<0.000000e+00> : vector<56xf32>
    %reduce_sum3A_740 = vector.multi_reduction <add>, %abs3A_738, %reduce_sum3A_739 [1] : vector<56x128xf32> to vector<56xf32>
    %broadcast_in_dim3A_741 = vector.shape_cast %reduce_sum3A_740 : vector<56xf32> to vector<56x1xf32>
    %transpose3A_742 = tpu.transpose %broadcast_in_dim3A_741, [1, 0] : vector<56x1xf32> -> vector<1x56xf32>
    %gt3A_743 = vector.broadcast %transpose3A_742 : vector<1x56xf32> to vector<56x56xf32>
    %gt3A_744 = vector.broadcast %broadcast_in_dim3A_741 : vector<56x1xf32> to vector<56x56xf32>
    %gt3A_745 = arith.cmpf ogt, %gt3A_743, %gt3A_744 : vector<56x56xf32>
    %eq3A_746 = vector.broadcast %transpose3A_742 : vector<1x56xf32> to vector<56x56xf32>
    %eq3A_747 = vector.broadcast %broadcast_in_dim3A_741 : vector<56x1xf32> to vector<56x56xf32>
    %eq3A_748 = arith.cmpf oeq, %eq3A_746, %eq3A_747 : vector<56x56xf32>
    %and3A_749 = arith.andi %eq3A_748, %lt3A_13 : vector<56x56xi1>
    %or3A_750 = arith.ori %gt3A_745, %and3A_749 : vector<56x56xi1>
    %convert_element_type3A_751 = arith.extui %or3A_750 : vector<56x56xi1> to vector<56x56xi32>
    %convert_element_type3A_752 = arith.sitofp %convert_element_type3A_751 : vector<56x56xi32> to vector<56x56xf32>
    %reduce_sum3A_753 = arith.constant dense<0.000000e+00> : vector<56xf32>
    %reduce_sum3A_754 = vector.multi_reduction <add>, %convert_element_type3A_752, %reduce_sum3A_753 [1] : vector<56x56xf32> to vector<56xf32>
    %broadcast_in_dim3A_755 = vector.shape_cast %reduce_sum3A_754 : vector<56xf32> to vector<56x1xf32>
    %lt3A_756 = arith.constant 2.800000e+01 : f32
    %lt3A_757 = vector.broadcast %lt3A_756 : f32 to vector<56x1xf32>
    %lt3A_758 = arith.cmpf olt, %broadcast_in_dim3A_755, %lt3A_757 : vector<56x1xf32>
    %convert_element_type3A_759 = arith.extui %lt3A_758 : vector<56x1xi1> to vector<56x1xi32>
    %convert_element_type3A_760 = arith.sitofp %convert_element_type3A_759 : vector<56x1xi32> to vector<56x1xf32>
    %dot_general3A_761 = arith.constant dense<0.000000e+00> : vector<56x1xf32>
    %dot_general3A_762 = tpu.matmul %convert_element_type3A_16, %convert_element_type3A_760, %dot_general3A_761 {dimension_numbers = #tpu.dot_dimension_numbers<[1], [0], [0], [1], [0, 0, 1, 1], [], []>, transpose_lhs_hint = false} : vector<56x56xf32>, vector<56x1xf32>, vector<56x1xf32> -> vector<56x1xf32>
    %sub3A_763 = arith.constant 1.000000e+00 : f32
    %sub3A_764 = vector.broadcast %sub3A_763 : f32 to vector<56x1xf32>
    %sub3A_765 = arith.subf %dot_general3A_762, %sub3A_764 : vector<56x1xf32>
    %iota3A_766 = tpu.iota {dimensions = array<i32: 1>} : vector<56x28xi32>
    %convert_element_type3A_767 = arith.fptosi %sub3A_765 : vector<56x1xf32> to vector<56x1xi32>
    %eq3A_768 = vector.broadcast %convert_element_type3A_767 : vector<56x1xi32> to vector<56x28xi32>
    %eq3A_769 = arith.cmpi eq, %eq3A_768, %iota3A_766 : vector<56x28xi32>
    %gt3A_770 = arith.constant 0.000000e+00 : f32
    %gt3A_771 = vector.broadcast %gt3A_770 : f32 to vector<56x1xf32>
    %gt3A_772 = arith.cmpf ogt, %convert_element_type3A_760, %gt3A_771 : vector<56x1xf32>
    %and3A_773 = vector.broadcast %gt3A_772 : vector<56x1xi1> to vector<56x28xi1>
    %and3A_774 = arith.andi %eq3A_769, %and3A_773 : vector<56x28xi1>
    %convert_element_type3A_775 = arith.extui %and3A_774 : vector<56x28xi1> to vector<56x28xi32>
    %convert_element_type3A_776 = arith.sitofp %convert_element_type3A_775 : vector<56x28xi32> to vector<56x28xf32>
    %dot_general3A_777 = arith.constant dense<0.000000e+00> : vector<28x128xf32>
    %dot_general3A_778 = tpu.matmul %convert_element_type3A_776, %max3A_729, %dot_general3A_777 {dimension_numbers = #tpu.dot_dimension_numbers<[0], [0], [1], [1], [0, 1, 1, 1], [], []>, precision = #tpu.contract_precision<fp32>, transpose_lhs_hint = false} : vector<56x28xf32>, vector<56x128xf32>, vector<28x128xf32> -> vector<28x128xf32>
    %reduce_max3A_779 = arith.constant dense<0xFF800000> : vector<128xf32>
    %reduce_max3A_780 = vector.multi_reduction <maximumf>, %dot_general3A_778, %reduce_max3A_779 [0] : vector<28x128xf32> to vector<128xf32>
    %broadcast_in_dim3A_781 = vector.shape_cast %reduce_max3A_780 : vector<128xf32> to vector<1x128xf32>
    %reduce_sum3A_782 = arith.constant dense<0.000000e+00> : vector<128xf32>
    %reduce_sum3A_783 = vector.multi_reduction <add>, %dot_general3A_778, %reduce_sum3A_782 [0] : vector<28x128xf32> to vector<128xf32>
    %broadcast_in_dim3A_784 = vector.shape_cast %reduce_sum3A_783 : vector<128xf32> to vector<1x128xf32>
    %div3A_785 = arith.constant 2.800000e+01 : f32
    %div3A_786 = vector.broadcast %div3A_785 : f32 to vector<1x128xf32>
    %div3A_787 = arith.divf %broadcast_in_dim3A_784, %div3A_786 : vector<1x128xf32>
    %concatenate3A_788 = tpu.concatenate %broadcast_in_dim3A_781, %div3A_787 in 1 : vector<1x128xf32>, vector<1x128xf32> -> vector<1x256xf32>
    %max3A_789 = arith.constant 0.000000e+00 : f32
    %max3A_790 = vector.broadcast %max3A_789 : f32 to vector<1x256xf32>
    %max3A_791 = arith.maximumf %concatenate3A_92, %max3A_790 : vector<1x256xf32>
    %max3A_792 = arith.constant 0.000000e+00 : f32
    %max3A_793 = vector.broadcast %max3A_792 : f32 to vector<1x256xf32>
    %max3A_794 = arith.maximumf %concatenate3A_788, %max3A_793 : vector<1x256xf32>
    %add3A_795 = arith.addf %max3A_791, %max3A_794 : vector<1x256xf32>
    %swap3A = arith.constant 0 : index
    %swap3A_796 = arith.constant 0 : index
    %swap3A_797 = arith.constant 0 : index
    %swap3A_798 = vector.load %arg5[%swap3A, %swap3A_796, %swap3A_797] : memref<8x28x128xf32, #tpu.memory_space<vmem>>, vector<1x28x128xf32>
    %swap3A_799 = vector.shape_cast %swap3A_798 : vector<1x28x128xf32> to vector<28x128xf32>
    %swap3A_800 = vector.shape_cast %dot_general3A_778 : vector<28x128xf32> to vector<1x28x128xf32>
    tpu.vector_store %arg5[%swap3A, %swap3A_796, %swap3A_797], %swap3A_800 {strides = array<i32>} : memref<8x28x128xf32, #tpu.memory_space<vmem>>, vector<1x28x128xf32>,
    %swap3A_801 = arith.constant 0 : index
    %swap3A_802 = arith.constant 0 : index
    %swap3A_803 = arith.constant 0 : index
    %swap3A_804 = vector.load %arg6[%swap3A_801, %swap3A_802, %swap3A_803] : memref<8x1x256xf32, #tpu.memory_space<vmem>>, vector<1x1x256xf32>
    %swap3A_805 = vector.shape_cast %swap3A_804 : vector<1x1x256xf32> to vector<1x256xf32>
    %swap3A_806 = vector.shape_cast %add3A_795 : vector<1x256xf32> to vector<1x1x256xf32>
    tpu.vector_store %arg6[%swap3A_801, %swap3A_802, %swap3A_803], %swap3A_806 {strides = array<i32>} : memref<8x1x256xf32, #tpu.memory_space<vmem>>, vector<1x1x256xf32>,
    %slice3A_807 = vector.extract_strided_slice %dot_general3A_711 {offsets = [56, 0], sizes = [56, 128], strides = [1, 1]} : vector<448x128xf32> to vector<56x128xf32>
    %reduce_sum3A_808 = arith.constant dense<0.000000e+00> : vector<56xf32>
    %reduce_sum3A_809 = vector.multi_reduction <add>, %slice3A_170, %reduce_sum3A_808 [1] : vector<56x56xf32> to vector<56xf32>
    %broadcast_in_dim3A_810 = vector.shape_cast %reduce_sum3A_809 : vector<56xf32> to vector<56x1xf32>
    %add3A_811 = arith.constant 1.000000e+00 : f32
    %add3A_812 = vector.broadcast %add3A_811 : f32 to vector<56x1xf32>
    %add3A_813 = arith.addf %broadcast_in_dim3A_810, %add3A_812 : vector<56x1xf32>
    %rsqrt3A_814 = math.rsqrt %add3A_813 : vector<56x1xf32>
    %mul3A_815 = vector.broadcast %rsqrt3A_814 : vector<56x1xf32> to vector<56x128xf32>
    %mul3A_816 = arith.mulf %mul3A_815, %slice3A_807 : vector<56x128xf32>
    %dot_general3A_817 = arith.constant dense<0.000000e+00> : vector<56x128xf32>
    %dot_general3A_818 = tpu.matmul %slice3A_170, %mul3A_816, %dot_general3A_817 {dimension_numbers = #tpu.dot_dimension_numbers<[1], [0], [0], [1], [0, 0, 1, 1], [], []>, precision = #tpu.contract_precision<fp32>, transpose_lhs_hint = false} : vector<56x56xf32>, vector<56x128xf32>, vector<56x128xf32> -> vector<56x128xf32>
    %add3A_819 = arith.addf %dot_general3A_818, %mul3A_816 : vector<56x128xf32>
    %mul3A_820 = vector.broadcast %rsqrt3A_814 : vector<56x1xf32> to vector<56x128xf32>
    %mul3A_821 = arith.mulf %mul3A_820, %add3A_819 : vector<56x128xf32>
    %max3A_822 = arith.constant 0.000000e+00 : f32
    %max3A_823 = vector.broadcast %max3A_822 : f32 to vector<56x128xf32>
    %max3A_824 = arith.maximumf %mul3A_821, %max3A_823 : vector<56x128xf32>
    %dot_general3A_825 = arith.constant dense<0.000000e+00> : vector<56x128xf32>
    %dot_general3A_826 = tpu.matmul %slice3A_170, %max3A_824, %dot_general3A_825 {dimension_numbers = #tpu.dot_dimension_numbers<[1], [0], [0], [1], [0, 0, 1, 1], [], []>, precision = #tpu.contract_precision<fp32>, transpose_lhs_hint = false} : vector<56x56xf32>, vector<56x128xf32>, vector<56x128xf32> -> vector<56x128xf32>
    %add3A_827 = arith.constant 1.000000e-10 : f32
    %add3A_828 = vector.broadcast %add3A_827 : f32 to vector<56x1xf32>
    %add3A_829 = arith.addf %broadcast_in_dim3A_810, %add3A_828 : vector<56x1xf32>
    %div3A_830 = vector.broadcast %add3A_829 : vector<56x1xf32> to vector<56x128xf32>
    %div3A_831 = arith.divf %dot_general3A_826, %div3A_830 : vector<56x128xf32>
    %sub3A_832 = arith.subf %max3A_824, %div3A_831 : vector<56x128xf32>
    %abs3A_833 = math.absf %sub3A_832 : vector<56x128xf32>
    %reduce_sum3A_834 = arith.constant dense<0.000000e+00> : vector<56xf32>
    %reduce_sum3A_835 = vector.multi_reduction <add>, %abs3A_833, %reduce_sum3A_834 [1] : vector<56x128xf32> to vector<56xf32>
    %broadcast_in_dim3A_836 = vector.shape_cast %reduce_sum3A_835 : vector<56xf32> to vector<56x1xf32>
    %transpose3A_837 = tpu.transpose %broadcast_in_dim3A_836, [1, 0] : vector<56x1xf32> -> vector<1x56xf32>
    %gt3A_838 = vector.broadcast %transpose3A_837 : vector<1x56xf32> to vector<56x56xf32>
    %gt3A_839 = vector.broadcast %broadcast_in_dim3A_836 : vector<56x1xf32> to vector<56x56xf32>
    %gt3A_840 = arith.cmpf ogt, %gt3A_838, %gt3A_839 : vector<56x56xf32>
    %eq3A_841 = vector.broadcast %transpose3A_837 : vector<1x56xf32> to vector<56x56xf32>
    %eq3A_842 = vector.broadcast %broadcast_in_dim3A_836 : vector<56x1xf32> to vector<56x56xf32>
    %eq3A_843 = arith.cmpf oeq, %eq3A_841, %eq3A_842 : vector<56x56xf32>
    %and3A_844 = arith.andi %eq3A_843, %lt3A_13 : vector<56x56xi1>
    %or3A_845 = arith.ori %gt3A_840, %and3A_844 : vector<56x56xi1>
    %convert_element_type3A_846 = arith.extui %or3A_845 : vector<56x56xi1> to vector<56x56xi32>
    %convert_element_type3A_847 = arith.sitofp %convert_element_type3A_846 : vector<56x56xi32> to vector<56x56xf32>
    %reduce_sum3A_848 = arith.constant dense<0.000000e+00> : vector<56xf32>
    %reduce_sum3A_849 = vector.multi_reduction <add>, %convert_element_type3A_847, %reduce_sum3A_848 [1] : vector<56x56xf32> to vector<56xf32>
    %broadcast_in_dim3A_850 = vector.shape_cast %reduce_sum3A_849 : vector<56xf32> to vector<56x1xf32>
    %lt3A_851 = arith.constant 2.800000e+01 : f32
    %lt3A_852 = vector.broadcast %lt3A_851 : f32 to vector<56x1xf32>
    %lt3A_853 = arith.cmpf olt, %broadcast_in_dim3A_850, %lt3A_852 : vector<56x1xf32>
    %convert_element_type3A_854 = arith.extui %lt3A_853 : vector<56x1xi1> to vector<56x1xi32>
    %convert_element_type3A_855 = arith.sitofp %convert_element_type3A_854 : vector<56x1xi32> to vector<56x1xf32>
    %dot_general3A_856 = arith.constant dense<0.000000e+00> : vector<56x1xf32>
    %dot_general3A_857 = tpu.matmul %convert_element_type3A_16, %convert_element_type3A_855, %dot_general3A_856 {dimension_numbers = #tpu.dot_dimension_numbers<[1], [0], [0], [1], [0, 0, 1, 1], [], []>, transpose_lhs_hint = false} : vector<56x56xf32>, vector<56x1xf32>, vector<56x1xf32> -> vector<56x1xf32>
    %sub3A_858 = arith.constant 1.000000e+00 : f32
    %sub3A_859 = vector.broadcast %sub3A_858 : f32 to vector<56x1xf32>
    %sub3A_860 = arith.subf %dot_general3A_857, %sub3A_859 : vector<56x1xf32>
    %iota3A_861 = tpu.iota {dimensions = array<i32: 1>} : vector<56x28xi32>
    %convert_element_type3A_862 = arith.fptosi %sub3A_860 : vector<56x1xf32> to vector<56x1xi32>
    %eq3A_863 = vector.broadcast %convert_element_type3A_862 : vector<56x1xi32> to vector<56x28xi32>
    %eq3A_864 = arith.cmpi eq, %eq3A_863, %iota3A_861 : vector<56x28xi32>
    %gt3A_865 = arith.constant 0.000000e+00 : f32
    %gt3A_866 = vector.broadcast %gt3A_865 : f32 to vector<56x1xf32>
    %gt3A_867 = arith.cmpf ogt, %convert_element_type3A_855, %gt3A_866 : vector<56x1xf32>
    %and3A_868 = vector.broadcast %gt3A_867 : vector<56x1xi1> to vector<56x28xi1>
    %and3A_869 = arith.andi %eq3A_864, %and3A_868 : vector<56x28xi1>
    %convert_element_type3A_870 = arith.extui %and3A_869 : vector<56x28xi1> to vector<56x28xi32>
    %convert_element_type3A_871 = arith.sitofp %convert_element_type3A_870 : vector<56x28xi32> to vector<56x28xf32>
    %dot_general3A_872 = arith.constant dense<0.000000e+00> : vector<28x128xf32>
    %dot_general3A_873 = tpu.matmul %convert_element_type3A_871, %max3A_824, %dot_general3A_872 {dimension_numbers = #tpu.dot_dimension_numbers<[0], [0], [1], [1], [0, 1, 1, 1], [], []>, precision = #tpu.contract_precision<fp32>, transpose_lhs_hint = false} : vector<56x28xf32>, vector<56x128xf32>, vector<28x128xf32> -> vector<28x128xf32>
    %reduce_max3A_874 = arith.constant dense<0xFF800000> : vector<128xf32>
    %reduce_max3A_875 = vector.multi_reduction <maximumf>, %dot_general3A_873, %reduce_max3A_874 [0] : vector<28x128xf32> to vector<128xf32>
    %broadcast_in_dim3A_876 = vector.shape_cast %reduce_max3A_875 : vector<128xf32> to vector<1x128xf32>
    %reduce_sum3A_877 = arith.constant dense<0.000000e+00> : vector<128xf32>
    %reduce_sum3A_878 = vector.multi_reduction <add>, %dot_general3A_873, %reduce_sum3A_877 [0] : vector<28x128xf32> to vector<128xf32>
    %broadcast_in_dim3A_879 = vector.shape_cast %reduce_sum3A_878 : vector<128xf32> to vector<1x128xf32>
    %div3A_880 = arith.constant 2.800000e+01 : f32
    %div3A_881 = vector.broadcast %div3A_880 : f32 to vector<1x128xf32>
    %div3A_882 = arith.divf %broadcast_in_dim3A_879, %div3A_881 : vector<1x128xf32>
    %concatenate3A_883 = tpu.concatenate %broadcast_in_dim3A_876, %div3A_882 in 1 : vector<1x128xf32>, vector<1x128xf32> -> vector<1x256xf32>
    %max3A_884 = arith.constant 0.000000e+00 : f32
    %max3A_885 = vector.broadcast %max3A_884 : f32 to vector<1x256xf32>
    %max3A_886 = arith.maximumf %concatenate3A_180, %max3A_885 : vector<1x256xf32>
    %max3A_887 = arith.constant 0.000000e+00 : f32
    %max3A_888 = vector.broadcast %max3A_887 : f32 to vector<1x256xf32>
    %max3A_889 = arith.maximumf %concatenate3A_883, %max3A_888 : vector<1x256xf32>
    %add3A_890 = arith.addf %max3A_886, %max3A_889 : vector<1x256xf32>
    %swap3A_891 = arith.constant 1 : index
    %swap3A_892 = arith.constant 0 : index
    %swap3A_893 = arith.constant 0 : index
    %swap3A_894 = vector.load %arg5[%swap3A_891, %swap3A_892, %swap3A_893] : memref<8x28x128xf32, #tpu.memory_space<vmem>>, vector<1x28x128xf32>
    %swap3A_895 = vector.shape_cast %swap3A_894 : vector<1x28x128xf32> to vector<28x128xf32>
    %swap3A_896 = vector.shape_cast %dot_general3A_873 : vector<28x128xf32> to vector<1x28x128xf32>
    tpu.vector_store %arg5[%swap3A_891, %swap3A_892, %swap3A_893], %swap3A_896 {strides = array<i32>} : memref<8x28x128xf32, #tpu.memory_space<vmem>>, vector<1x28x128xf32>,
    %swap3A_897 = arith.constant 1 : index
    %swap3A_898 = arith.constant 0 : index
    %swap3A_899 = arith.constant 0 : index
    %swap3A_900 = vector.load %arg6[%swap3A_897, %swap3A_898, %swap3A_899] : memref<8x1x256xf32, #tpu.memory_space<vmem>>, vector<1x1x256xf32>
    %swap3A_901 = vector.shape_cast %swap3A_900 : vector<1x1x256xf32> to vector<1x256xf32>
    %swap3A_902 = vector.shape_cast %add3A_890 : vector<1x256xf32> to vector<1x1x256xf32>
    tpu.vector_store %arg6[%swap3A_897, %swap3A_898, %swap3A_899], %swap3A_902 {strides = array<i32>} : memref<8x1x256xf32, #tpu.memory_space<vmem>>, vector<1x1x256xf32>,
    %slice3A_903 = vector.extract_strided_slice %dot_general3A_711 {offsets = [112, 0], sizes = [56, 128], strides = [1, 1]} : vector<448x128xf32> to vector<56x128xf32>
    %reduce_sum3A_904 = arith.constant dense<0.000000e+00> : vector<56xf32>
    %reduce_sum3A_905 = vector.multi_reduction <add>, %slice3A_258, %reduce_sum3A_904 [1] : vector<56x56xf32> to vector<56xf32>
    %broadcast_in_dim3A_906 = vector.shape_cast %reduce_sum3A_905 : vector<56xf32> to vector<56x1xf32>
    %add3A_907 = arith.constant 1.000000e+00 : f32
    %add3A_908 = vector.broadcast %add3A_907 : f32 to vector<56x1xf32>
    %add3A_909 = arith.addf %broadcast_in_dim3A_906, %add3A_908 : vector<56x1xf32>
    %rsqrt3A_910 = math.rsqrt %add3A_909 : vector<56x1xf32>
    %mul3A_911 = vector.broadcast %rsqrt3A_910 : vector<56x1xf32> to vector<56x128xf32>
    %mul3A_912 = arith.mulf %mul3A_911, %slice3A_903 : vector<56x128xf32>
    %dot_general3A_913 = arith.constant dense<0.000000e+00> : vector<56x128xf32>
    %dot_general3A_914 = tpu.matmul %slice3A_258, %mul3A_912, %dot_general3A_913 {dimension_numbers = #tpu.dot_dimension_numbers<[1], [0], [0], [1], [0, 0, 1, 1], [], []>, precision = #tpu.contract_precision<fp32>, transpose_lhs_hint = false} : vector<56x56xf32>, vector<56x128xf32>, vector<56x128xf32> -> vector<56x128xf32>
    %add3A_915 = arith.addf %dot_general3A_914, %mul3A_912 : vector<56x128xf32>
    %mul3A_916 = vector.broadcast %rsqrt3A_910 : vector<56x1xf32> to vector<56x128xf32>
    %mul3A_917 = arith.mulf %mul3A_916, %add3A_915 : vector<56x128xf32>
    %max3A_918 = arith.constant 0.000000e+00 : f32
    %max3A_919 = vector.broadcast %max3A_918 : f32 to vector<56x128xf32>
    %max3A_920 = arith.maximumf %mul3A_917, %max3A_919 : vector<56x128xf32>
    %dot_general3A_921 = arith.constant dense<0.000000e+00> : vector<56x128xf32>
    %dot_general3A_922 = tpu.matmul %slice3A_258, %max3A_920, %dot_general3A_921 {dimension_numbers = #tpu.dot_dimension_numbers<[1], [0], [0], [1], [0, 0, 1, 1], [], []>, precision = #tpu.contract_precision<fp32>, transpose_lhs_hint = false} : vector<56x56xf32>, vector<56x128xf32>, vector<56x128xf32> -> vector<56x128xf32>
    %add3A_923 = arith.constant 1.000000e-10 : f32
    %add3A_924 = vector.broadcast %add3A_923 : f32 to vector<56x1xf32>
    %add3A_925 = arith.addf %broadcast_in_dim3A_906, %add3A_924 : vector<56x1xf32>
    %div3A_926 = vector.broadcast %add3A_925 : vector<56x1xf32> to vector<56x128xf32>
    %div3A_927 = arith.divf %dot_general3A_922, %div3A_926 : vector<56x128xf32>
    %sub3A_928 = arith.subf %max3A_920, %div3A_927 : vector<56x128xf32>
    %abs3A_929 = math.absf %sub3A_928 : vector<56x128xf32>
    %reduce_sum3A_930 = arith.constant dense<0.000000e+00> : vector<56xf32>
    %reduce_sum3A_931 = vector.multi_reduction <add>, %abs3A_929, %reduce_sum3A_930 [1] : vector<56x128xf32> to vector<56xf32>
    %broadcast_in_dim3A_932 = vector.shape_cast %reduce_sum3A_931 : vector<56xf32> to vector<56x1xf32>
    %transpose3A_933 = tpu.transpose %broadcast_in_dim3A_932, [1, 0] : vector<56x1xf32> -> vector<1x56xf32>
    %gt3A_934 = vector.broadcast %transpose3A_933 : vector<1x56xf32> to vector<56x56xf32>
    %gt3A_935 = vector.broadcast %broadcast_in_dim3A_932 : vector<56x1xf32> to vector<56x56xf32>
    %gt3A_936 = arith.cmpf ogt, %gt3A_934, %gt3A_935 : vector<56x56xf32>
    %eq3A_937 = vector.broadcast %transpose3A_933 : vector<1x56xf32> to vector<56x56xf32>
    %eq3A_938 = vector.broadcast %broadcast_in_dim3A_932 : vector<56x1xf32> to vector<56x56xf32>
    %eq3A_939 = arith.cmpf oeq, %eq3A_937, %eq3A_938 : vector<56x56xf32>
    %and3A_940 = arith.andi %eq3A_939, %lt3A_13 : vector<56x56xi1>
    %or3A_941 = arith.ori %gt3A_936, %and3A_940 : vector<56x56xi1>
    %convert_element_type3A_942 = arith.extui %or3A_941 : vector<56x56xi1> to vector<56x56xi32>
    %convert_element_type3A_943 = arith.sitofp %convert_element_type3A_942 : vector<56x56xi32> to vector<56x56xf32>
    %reduce_sum3A_944 = arith.constant dense<0.000000e+00> : vector<56xf32>
    %reduce_sum3A_945 = vector.multi_reduction <add>, %convert_element_type3A_943, %reduce_sum3A_944 [1] : vector<56x56xf32> to vector<56xf32>
    %broadcast_in_dim3A_946 = vector.shape_cast %reduce_sum3A_945 : vector<56xf32> to vector<56x1xf32>
    %lt3A_947 = arith.constant 2.800000e+01 : f32
    %lt3A_948 = vector.broadcast %lt3A_947 : f32 to vector<56x1xf32>
    %lt3A_949 = arith.cmpf olt, %broadcast_in_dim3A_946, %lt3A_948 : vector<56x1xf32>
    %convert_element_type3A_950 = arith.extui %lt3A_949 : vector<56x1xi1> to vector<56x1xi32>
    %convert_element_type3A_951 = arith.sitofp %convert_element_type3A_950 : vector<56x1xi32> to vector<56x1xf32>
    %dot_general3A_952 = arith.constant dense<0.000000e+00> : vector<56x1xf32>
    %dot_general3A_953 = tpu.matmul %convert_element_type3A_16, %convert_element_type3A_951, %dot_general3A_952 {dimension_numbers = #tpu.dot_dimension_numbers<[1], [0], [0], [1], [0, 0, 1, 1], [], []>, transpose_lhs_hint = false} : vector<56x56xf32>, vector<56x1xf32>, vector<56x1xf32> -> vector<56x1xf32>
    %sub3A_954 = arith.constant 1.000000e+00 : f32
    %sub3A_955 = vector.broadcast %sub3A_954 : f32 to vector<56x1xf32>
    %sub3A_956 = arith.subf %dot_general3A_953, %sub3A_955 : vector<56x1xf32>
    %iota3A_957 = tpu.iota {dimensions = array<i32: 1>} : vector<56x28xi32>
    %convert_element_type3A_958 = arith.fptosi %sub3A_956 : vector<56x1xf32> to vector<56x1xi32>
    %eq3A_959 = vector.broadcast %convert_element_type3A_958 : vector<56x1xi32> to vector<56x28xi32>
    %eq3A_960 = arith.cmpi eq, %eq3A_959, %iota3A_957 : vector<56x28xi32>
    %gt3A_961 = arith.constant 0.000000e+00 : f32
    %gt3A_962 = vector.broadcast %gt3A_961 : f32 to vector<56x1xf32>
    %gt3A_963 = arith.cmpf ogt, %convert_element_type3A_951, %gt3A_962 : vector<56x1xf32>
    %and3A_964 = vector.broadcast %gt3A_963 : vector<56x1xi1> to vector<56x28xi1>
    %and3A_965 = arith.andi %eq3A_960, %and3A_964 : vector<56x28xi1>
    %convert_element_type3A_966 = arith.extui %and3A_965 : vector<56x28xi1> to vector<56x28xi32>
    %convert_element_type3A_967 = arith.sitofp %convert_element_type3A_966 : vector<56x28xi32> to vector<56x28xf32>
    %dot_general3A_968 = arith.constant dense<0.000000e+00> : vector<28x128xf32>
    %dot_general3A_969 = tpu.matmul %convert_element_type3A_967, %max3A_920, %dot_general3A_968 {dimension_numbers = #tpu.dot_dimension_numbers<[0], [0], [1], [1], [0, 1, 1, 1], [], []>, precision = #tpu.contract_precision<fp32>, transpose_lhs_hint = false} : vector<56x28xf32>, vector<56x128xf32>, vector<28x128xf32> -> vector<28x128xf32>
    %reduce_max3A_970 = arith.constant dense<0xFF800000> : vector<128xf32>
    %reduce_max3A_971 = vector.multi_reduction <maximumf>, %dot_general3A_969, %reduce_max3A_970 [0] : vector<28x128xf32> to vector<128xf32>
    %broadcast_in_dim3A_972 = vector.shape_cast %reduce_max3A_971 : vector<128xf32> to vector<1x128xf32>
    %reduce_sum3A_973 = arith.constant dense<0.000000e+00> : vector<128xf32>
    %reduce_sum3A_974 = vector.multi_reduction <add>, %dot_general3A_969, %reduce_sum3A_973 [0] : vector<28x128xf32> to vector<128xf32>
    %broadcast_in_dim3A_975 = vector.shape_cast %reduce_sum3A_974 : vector<128xf32> to vector<1x128xf32>
    %div3A_976 = arith.constant 2.800000e+01 : f32
    %div3A_977 = vector.broadcast %div3A_976 : f32 to vector<1x128xf32>
    %div3A_978 = arith.divf %broadcast_in_dim3A_975, %div3A_977 : vector<1x128xf32>
    %concatenate3A_979 = tpu.concatenate %broadcast_in_dim3A_972, %div3A_978 in 1 : vector<1x128xf32>, vector<1x128xf32> -> vector<1x256xf32>
    %max3A_980 = arith.constant 0.000000e+00 : f32
    %max3A_981 = vector.broadcast %max3A_980 : f32 to vector<1x256xf32>
    %max3A_982 = arith.maximumf %concatenate3A_268, %max3A_981 : vector<1x256xf32>
    %max3A_983 = arith.constant 0.000000e+00 : f32
    %max3A_984 = vector.broadcast %max3A_983 : f32 to vector<1x256xf32>
    %max3A_985 = arith.maximumf %concatenate3A_979, %max3A_984 : vector<1x256xf32>
    %add3A_986 = arith.addf %max3A_982, %max3A_985 : vector<1x256xf32>
    %swap3A_987 = arith.constant 2 : index
    %swap3A_988 = arith.constant 0 : index
    %swap3A_989 = arith.constant 0 : index
    %swap3A_990 = vector.load %arg5[%swap3A_987, %swap3A_988, %swap3A_989] : memref<8x28x128xf32, #tpu.memory_space<vmem>>, vector<1x28x128xf32>
    %swap3A_991 = vector.shape_cast %swap3A_990 : vector<1x28x128xf32> to vector<28x128xf32>
    %swap3A_992 = vector.shape_cast %dot_general3A_969 : vector<28x128xf32> to vector<1x28x128xf32>
    tpu.vector_store %arg5[%swap3A_987, %swap3A_988, %swap3A_989], %swap3A_992 {strides = array<i32>} : memref<8x28x128xf32, #tpu.memory_space<vmem>>, vector<1x28x128xf32>,
    %swap3A_993 = arith.constant 2 : index
    %swap3A_994 = arith.constant 0 : index
    %swap3A_995 = arith.constant 0 : index
    %swap3A_996 = vector.load %arg6[%swap3A_993, %swap3A_994, %swap3A_995] : memref<8x1x256xf32, #tpu.memory_space<vmem>>, vector<1x1x256xf32>
    %swap3A_997 = vector.shape_cast %swap3A_996 : vector<1x1x256xf32> to vector<1x256xf32>
    %swap3A_998 = vector.shape_cast %add3A_986 : vector<1x256xf32> to vector<1x1x256xf32>
    tpu.vector_store %arg6[%swap3A_993, %swap3A_994, %swap3A_995], %swap3A_998 {strides = array<i32>} : memref<8x1x256xf32, #tpu.memory_space<vmem>>, vector<1x1x256xf32>,
    %slice3A_999 = vector.extract_strided_slice %dot_general3A_711 {offsets = [168, 0], sizes = [56, 128], strides = [1, 1]} : vector<448x128xf32> to vector<56x128xf32>
    %reduce_sum3A_1000 = arith.constant dense<0.000000e+00> : vector<56xf32>
    %reduce_sum3A_1001 = vector.multi_reduction <add>, %slice3A_346, %reduce_sum3A_1000 [1] : vector<56x56xf32> to vector<56xf32>
    %broadcast_in_dim3A_1002 = vector.shape_cast %reduce_sum3A_1001 : vector<56xf32> to vector<56x1xf32>
    %add3A_1003 = arith.constant 1.000000e+00 : f32
    %add3A_1004 = vector.broadcast %add3A_1003 : f32 to vector<56x1xf32>
    %add3A_1005 = arith.addf %broadcast_in_dim3A_1002, %add3A_1004 : vector<56x1xf32>
    %rsqrt3A_1006 = math.rsqrt %add3A_1005 : vector<56x1xf32>
    %mul3A_1007 = vector.broadcast %rsqrt3A_1006 : vector<56x1xf32> to vector<56x128xf32>
    %mul3A_1008 = arith.mulf %mul3A_1007, %slice3A_999 : vector<56x128xf32>
    %dot_general3A_1009 = arith.constant dense<0.000000e+00> : vector<56x128xf32>
    %dot_general3A_1010 = tpu.matmul %slice3A_346, %mul3A_1008, %dot_general3A_1009 {dimension_numbers = #tpu.dot_dimension_numbers<[1], [0], [0], [1], [0, 0, 1, 1], [], []>, precision = #tpu.contract_precision<fp32>, transpose_lhs_hint = false} : vector<56x56xf32>, vector<56x128xf32>, vector<56x128xf32> -> vector<56x128xf32>
    %add3A_1011 = arith.addf %dot_general3A_1010, %mul3A_1008 : vector<56x128xf32>
    %mul3A_1012 = vector.broadcast %rsqrt3A_1006 : vector<56x1xf32> to vector<56x128xf32>
    %mul3A_1013 = arith.mulf %mul3A_1012, %add3A_1011 : vector<56x128xf32>
    %max3A_1014 = arith.constant 0.000000e+00 : f32
    %max3A_1015 = vector.broadcast %max3A_1014 : f32 to vector<56x128xf32>
    %max3A_1016 = arith.maximumf %mul3A_1013, %max3A_1015 : vector<56x128xf32>
    %dot_general3A_1017 = arith.constant dense<0.000000e+00> : vector<56x128xf32>
    %dot_general3A_1018 = tpu.matmul %slice3A_346, %max3A_1016, %dot_general3A_1017 {dimension_numbers = #tpu.dot_dimension_numbers<[1], [0], [0], [1], [0, 0, 1, 1], [], []>, precision = #tpu.contract_precision<fp32>, transpose_lhs_hint = false} : vector<56x56xf32>, vector<56x128xf32>, vector<56x128xf32> -> vector<56x128xf32>
    %add3A_1019 = arith.constant 1.000000e-10 : f32
    %add3A_1020 = vector.broadcast %add3A_1019 : f32 to vector<56x1xf32>
    %add3A_1021 = arith.addf %broadcast_in_dim3A_1002, %add3A_1020 : vector<56x1xf32>
    %div3A_1022 = vector.broadcast %add3A_1021 : vector<56x1xf32> to vector<56x128xf32>
    %div3A_1023 = arith.divf %dot_general3A_1018, %div3A_1022 : vector<56x128xf32>
    %sub3A_1024 = arith.subf %max3A_1016, %div3A_1023 : vector<56x128xf32>
    %abs3A_1025 = math.absf %sub3A_1024 : vector<56x128xf32>
    %reduce_sum3A_1026 = arith.constant dense<0.000000e+00> : vector<56xf32>
    %reduce_sum3A_1027 = vector.multi_reduction <add>, %abs3A_1025, %reduce_sum3A_1026 [1] : vector<56x128xf32> to vector<56xf32>
    %broadcast_in_dim3A_1028 = vector.shape_cast %reduce_sum3A_1027 : vector<56xf32> to vector<56x1xf32>
    %transpose3A_1029 = tpu.transpose %broadcast_in_dim3A_1028, [1, 0] : vector<56x1xf32> -> vector<1x56xf32>
    %gt3A_1030 = vector.broadcast %transpose3A_1029 : vector<1x56xf32> to vector<56x56xf32>
    %gt3A_1031 = vector.broadcast %broadcast_in_dim3A_1028 : vector<56x1xf32> to vector<56x56xf32>
    %gt3A_1032 = arith.cmpf ogt, %gt3A_1030, %gt3A_1031 : vector<56x56xf32>
    %eq3A_1033 = vector.broadcast %transpose3A_1029 : vector<1x56xf32> to vector<56x56xf32>
    %eq3A_1034 = vector.broadcast %broadcast_in_dim3A_1028 : vector<56x1xf32> to vector<56x56xf32>
    %eq3A_1035 = arith.cmpf oeq, %eq3A_1033, %eq3A_1034 : vector<56x56xf32>
    %and3A_1036 = arith.andi %eq3A_1035, %lt3A_13 : vector<56x56xi1>
    %or3A_1037 = arith.ori %gt3A_1032, %and3A_1036 : vector<56x56xi1>
    %convert_element_type3A_1038 = arith.extui %or3A_1037 : vector<56x56xi1> to vector<56x56xi32>
    %convert_element_type3A_1039 = arith.sitofp %convert_element_type3A_1038 : vector<56x56xi32> to vector<56x56xf32>
    %reduce_sum3A_1040 = arith.constant dense<0.000000e+00> : vector<56xf32>
    %reduce_sum3A_1041 = vector.multi_reduction <add>, %convert_element_type3A_1039, %reduce_sum3A_1040 [1] : vector<56x56xf32> to vector<56xf32>
    %broadcast_in_dim3A_1042 = vector.shape_cast %reduce_sum3A_1041 : vector<56xf32> to vector<56x1xf32>
    %lt3A_1043 = arith.constant 2.800000e+01 : f32
    %lt3A_1044 = vector.broadcast %lt3A_1043 : f32 to vector<56x1xf32>
    %lt3A_1045 = arith.cmpf olt, %broadcast_in_dim3A_1042, %lt3A_1044 : vector<56x1xf32>
    %convert_element_type3A_1046 = arith.extui %lt3A_1045 : vector<56x1xi1> to vector<56x1xi32>
    %convert_element_type3A_1047 = arith.sitofp %convert_element_type3A_1046 : vector<56x1xi32> to vector<56x1xf32>
    %dot_general3A_1048 = arith.constant dense<0.000000e+00> : vector<56x1xf32>
    %dot_general3A_1049 = tpu.matmul %convert_element_type3A_16, %convert_element_type3A_1047, %dot_general3A_1048 {dimension_numbers = #tpu.dot_dimension_numbers<[1], [0], [0], [1], [0, 0, 1, 1], [], []>, transpose_lhs_hint = false} : vector<56x56xf32>, vector<56x1xf32>, vector<56x1xf32> -> vector<56x1xf32>
    %sub3A_1050 = arith.constant 1.000000e+00 : f32
    %sub3A_1051 = vector.broadcast %sub3A_1050 : f32 to vector<56x1xf32>
    %sub3A_1052 = arith.subf %dot_general3A_1049, %sub3A_1051 : vector<56x1xf32>
    %iota3A_1053 = tpu.iota {dimensions = array<i32: 1>} : vector<56x28xi32>
    %convert_element_type3A_1054 = arith.fptosi %sub3A_1052 : vector<56x1xf32> to vector<56x1xi32>
    %eq3A_1055 = vector.broadcast %convert_element_type3A_1054 : vector<56x1xi32> to vector<56x28xi32>
    %eq3A_1056 = arith.cmpi eq, %eq3A_1055, %iota3A_1053 : vector<56x28xi32>
    %gt3A_1057 = arith.constant 0.000000e+00 : f32
    %gt3A_1058 = vector.broadcast %gt3A_1057 : f32 to vector<56x1xf32>
    %gt3A_1059 = arith.cmpf ogt, %convert_element_type3A_1047, %gt3A_1058 : vector<56x1xf32>
    %and3A_1060 = vector.broadcast %gt3A_1059 : vector<56x1xi1> to vector<56x28xi1>
    %and3A_1061 = arith.andi %eq3A_1056, %and3A_1060 : vector<56x28xi1>
    %convert_element_type3A_1062 = arith.extui %and3A_1061 : vector<56x28xi1> to vector<56x28xi32>
    %convert_element_type3A_1063 = arith.sitofp %convert_element_type3A_1062 : vector<56x28xi32> to vector<56x28xf32>
    %dot_general3A_1064 = arith.constant dense<0.000000e+00> : vector<28x128xf32>
    %dot_general3A_1065 = tpu.matmul %convert_element_type3A_1063, %max3A_1016, %dot_general3A_1064 {dimension_numbers = #tpu.dot_dimension_numbers<[0], [0], [1], [1], [0, 1, 1, 1], [], []>, precision = #tpu.contract_precision<fp32>, transpose_lhs_hint = false} : vector<56x28xf32>, vector<56x128xf32>, vector<28x128xf32> -> vector<28x128xf32>
    %reduce_max3A_1066 = arith.constant dense<0xFF800000> : vector<128xf32>
    %reduce_max3A_1067 = vector.multi_reduction <maximumf>, %dot_general3A_1065, %reduce_max3A_1066 [0] : vector<28x128xf32> to vector<128xf32>
    %broadcast_in_dim3A_1068 = vector.shape_cast %reduce_max3A_1067 : vector<128xf32> to vector<1x128xf32>
    %reduce_sum3A_1069 = arith.constant dense<0.000000e+00> : vector<128xf32>
    %reduce_sum3A_1070 = vector.multi_reduction <add>, %dot_general3A_1065, %reduce_sum3A_1069 [0] : vector<28x128xf32> to vector<128xf32>
    %broadcast_in_dim3A_1071 = vector.shape_cast %reduce_sum3A_1070 : vector<128xf32> to vector<1x128xf32>
    %div3A_1072 = arith.constant 2.800000e+01 : f32
    %div3A_1073 = vector.broadcast %div3A_1072 : f32 to vector<1x128xf32>
    %div3A_1074 = arith.divf %broadcast_in_dim3A_1071, %div3A_1073 : vector<1x128xf32>
    %concatenate3A_1075 = tpu.concatenate %broadcast_in_dim3A_1068, %div3A_1074 in 1 : vector<1x128xf32>, vector<1x128xf32> -> vector<1x256xf32>
    %max3A_1076 = arith.constant 0.000000e+00 : f32
    %max3A_1077 = vector.broadcast %max3A_1076 : f32 to vector<1x256xf32>
    %max3A_1078 = arith.maximumf %concatenate3A_356, %max3A_1077 : vector<1x256xf32>
    %max3A_1079 = arith.constant 0.000000e+00 : f32
    %max3A_1080 = vector.broadcast %max3A_1079 : f32 to vector<1x256xf32>
    %max3A_1081 = arith.maximumf %concatenate3A_1075, %max3A_1080 : vector<1x256xf32>
    %add3A_1082 = arith.addf %max3A_1078, %max3A_1081 : vector<1x256xf32>
    %swap3A_1083 = arith.constant 3 : index
    %swap3A_1084 = arith.constant 0 : index
    %swap3A_1085 = arith.constant 0 : index
    %swap3A_1086 = vector.load %arg5[%swap3A_1083, %swap3A_1084, %swap3A_1085] : memref<8x28x128xf32, #tpu.memory_space<vmem>>, vector<1x28x128xf32>
    %swap3A_1087 = vector.shape_cast %swap3A_1086 : vector<1x28x128xf32> to vector<28x128xf32>
    %swap3A_1088 = vector.shape_cast %dot_general3A_1065 : vector<28x128xf32> to vector<1x28x128xf32>
    tpu.vector_store %arg5[%swap3A_1083, %swap3A_1084, %swap3A_1085], %swap3A_1088 {strides = array<i32>} : memref<8x28x128xf32, #tpu.memory_space<vmem>>, vector<1x28x128xf32>,
    %swap3A_1089 = arith.constant 3 : index
    %swap3A_1090 = arith.constant 0 : index
    %swap3A_1091 = arith.constant 0 : index
    %swap3A_1092 = vector.load %arg6[%swap3A_1089, %swap3A_1090, %swap3A_1091] : memref<8x1x256xf32, #tpu.memory_space<vmem>>, vector<1x1x256xf32>
    %swap3A_1093 = vector.shape_cast %swap3A_1092 : vector<1x1x256xf32> to vector<1x256xf32>
    %swap3A_1094 = vector.shape_cast %add3A_1082 : vector<1x256xf32> to vector<1x1x256xf32>
    tpu.vector_store %arg6[%swap3A_1089, %swap3A_1090, %swap3A_1091], %swap3A_1094 {strides = array<i32>} : memref<8x1x256xf32, #tpu.memory_space<vmem>>, vector<1x1x256xf32>,
    %slice3A_1095 = vector.extract_strided_slice %dot_general3A_711 {offsets = [224, 0], sizes = [56, 128], strides = [1, 1]} : vector<448x128xf32> to vector<56x128xf32>
    %reduce_sum3A_1096 = arith.constant dense<0.000000e+00> : vector<56xf32>
    %reduce_sum3A_1097 = vector.multi_reduction <add>, %slice3A_434, %reduce_sum3A_1096 [1] : vector<56x56xf32> to vector<56xf32>
    %broadcast_in_dim3A_1098 = vector.shape_cast %reduce_sum3A_1097 : vector<56xf32> to vector<56x1xf32>
    %add3A_1099 = arith.constant 1.000000e+00 : f32
    %add3A_1100 = vector.broadcast %add3A_1099 : f32 to vector<56x1xf32>
    %add3A_1101 = arith.addf %broadcast_in_dim3A_1098, %add3A_1100 : vector<56x1xf32>
    %rsqrt3A_1102 = math.rsqrt %add3A_1101 : vector<56x1xf32>
    %mul3A_1103 = vector.broadcast %rsqrt3A_1102 : vector<56x1xf32> to vector<56x128xf32>
    %mul3A_1104 = arith.mulf %mul3A_1103, %slice3A_1095 : vector<56x128xf32>
    %dot_general3A_1105 = arith.constant dense<0.000000e+00> : vector<56x128xf32>
    %dot_general3A_1106 = tpu.matmul %slice3A_434, %mul3A_1104, %dot_general3A_1105 {dimension_numbers = #tpu.dot_dimension_numbers<[1], [0], [0], [1], [0, 0, 1, 1], [], []>, precision = #tpu.contract_precision<fp32>, transpose_lhs_hint = false} : vector<56x56xf32>, vector<56x128xf32>, vector<56x128xf32> -> vector<56x128xf32>
    %add3A_1107 = arith.addf %dot_general3A_1106, %mul3A_1104 : vector<56x128xf32>
    %mul3A_1108 = vector.broadcast %rsqrt3A_1102 : vector<56x1xf32> to vector<56x128xf32>
    %mul3A_1109 = arith.mulf %mul3A_1108, %add3A_1107 : vector<56x128xf32>
    %max3A_1110 = arith.constant 0.000000e+00 : f32
    %max3A_1111 = vector.broadcast %max3A_1110 : f32 to vector<56x128xf32>
    %max3A_1112 = arith.maximumf %mul3A_1109, %max3A_1111 : vector<56x128xf32>
    %dot_general3A_1113 = arith.constant dense<0.000000e+00> : vector<56x128xf32>
    %dot_general3A_1114 = tpu.matmul %slice3A_434, %max3A_1112, %dot_general3A_1113 {dimension_numbers = #tpu.dot_dimension_numbers<[1], [0], [0], [1], [0, 0, 1, 1], [], []>, precision = #tpu.contract_precision<fp32>, transpose_lhs_hint = false} : vector<56x56xf32>, vector<56x128xf32>, vector<56x128xf32> -> vector<56x128xf32>
    %add3A_1115 = arith.constant 1.000000e-10 : f32
    %add3A_1116 = vector.broadcast %add3A_1115 : f32 to vector<56x1xf32>
    %add3A_1117 = arith.addf %broadcast_in_dim3A_1098, %add3A_1116 : vector<56x1xf32>
    %div3A_1118 = vector.broadcast %add3A_1117 : vector<56x1xf32> to vector<56x128xf32>
    %div3A_1119 = arith.divf %dot_general3A_1114, %div3A_1118 : vector<56x128xf32>
    %sub3A_1120 = arith.subf %max3A_1112, %div3A_1119 : vector<56x128xf32>
    %abs3A_1121 = math.absf %sub3A_1120 : vector<56x128xf32>
    %reduce_sum3A_1122 = arith.constant dense<0.000000e+00> : vector<56xf32>
    %reduce_sum3A_1123 = vector.multi_reduction <add>, %abs3A_1121, %reduce_sum3A_1122 [1] : vector<56x128xf32> to vector<56xf32>
    %broadcast_in_dim3A_1124 = vector.shape_cast %reduce_sum3A_1123 : vector<56xf32> to vector<56x1xf32>
    %transpose3A_1125 = tpu.transpose %broadcast_in_dim3A_1124, [1, 0] : vector<56x1xf32> -> vector<1x56xf32>
    %gt3A_1126 = vector.broadcast %transpose3A_1125 : vector<1x56xf32> to vector<56x56xf32>
    %gt3A_1127 = vector.broadcast %broadcast_in_dim3A_1124 : vector<56x1xf32> to vector<56x56xf32>
    %gt3A_1128 = arith.cmpf ogt, %gt3A_1126, %gt3A_1127 : vector<56x56xf32>
    %eq3A_1129 = vector.broadcast %transpose3A_1125 : vector<1x56xf32> to vector<56x56xf32>
    %eq3A_1130 = vector.broadcast %broadcast_in_dim3A_1124 : vector<56x1xf32> to vector<56x56xf32>
    %eq3A_1131 = arith.cmpf oeq, %eq3A_1129, %eq3A_1130 : vector<56x56xf32>
    %and3A_1132 = arith.andi %eq3A_1131, %lt3A_13 : vector<56x56xi1>
    %or3A_1133 = arith.ori %gt3A_1128, %and3A_1132 : vector<56x56xi1>
    %convert_element_type3A_1134 = arith.extui %or3A_1133 : vector<56x56xi1> to vector<56x56xi32>
    %convert_element_type3A_1135 = arith.sitofp %convert_element_type3A_1134 : vector<56x56xi32> to vector<56x56xf32>
    %reduce_sum3A_1136 = arith.constant dense<0.000000e+00> : vector<56xf32>
    %reduce_sum3A_1137 = vector.multi_reduction <add>, %convert_element_type3A_1135, %reduce_sum3A_1136 [1] : vector<56x56xf32> to vector<56xf32>
    %broadcast_in_dim3A_1138 = vector.shape_cast %reduce_sum3A_1137 : vector<56xf32> to vector<56x1xf32>
    %lt3A_1139 = arith.constant 2.800000e+01 : f32
    %lt3A_1140 = vector.broadcast %lt3A_1139 : f32 to vector<56x1xf32>
    %lt3A_1141 = arith.cmpf olt, %broadcast_in_dim3A_1138, %lt3A_1140 : vector<56x1xf32>
    %convert_element_type3A_1142 = arith.extui %lt3A_1141 : vector<56x1xi1> to vector<56x1xi32>
    %convert_element_type3A_1143 = arith.sitofp %convert_element_type3A_1142 : vector<56x1xi32> to vector<56x1xf32>
    %dot_general3A_1144 = arith.constant dense<0.000000e+00> : vector<56x1xf32>
    %dot_general3A_1145 = tpu.matmul %convert_element_type3A_16, %convert_element_type3A_1143, %dot_general3A_1144 {dimension_numbers = #tpu.dot_dimension_numbers<[1], [0], [0], [1], [0, 0, 1, 1], [], []>, transpose_lhs_hint = false} : vector<56x56xf32>, vector<56x1xf32>, vector<56x1xf32> -> vector<56x1xf32>
    %sub3A_1146 = arith.constant 1.000000e+00 : f32
    %sub3A_1147 = vector.broadcast %sub3A_1146 : f32 to vector<56x1xf32>
    %sub3A_1148 = arith.subf %dot_general3A_1145, %sub3A_1147 : vector<56x1xf32>
    %iota3A_1149 = tpu.iota {dimensions = array<i32: 1>} : vector<56x28xi32>
    %convert_element_type3A_1150 = arith.fptosi %sub3A_1148 : vector<56x1xf32> to vector<56x1xi32>
    %eq3A_1151 = vector.broadcast %convert_element_type3A_1150 : vector<56x1xi32> to vector<56x28xi32>
    %eq3A_1152 = arith.cmpi eq, %eq3A_1151, %iota3A_1149 : vector<56x28xi32>
    %gt3A_1153 = arith.constant 0.000000e+00 : f32
    %gt3A_1154 = vector.broadcast %gt3A_1153 : f32 to vector<56x1xf32>
    %gt3A_1155 = arith.cmpf ogt, %convert_element_type3A_1143, %gt3A_1154 : vector<56x1xf32>
    %and3A_1156 = vector.broadcast %gt3A_1155 : vector<56x1xi1> to vector<56x28xi1>
    %and3A_1157 = arith.andi %eq3A_1152, %and3A_1156 : vector<56x28xi1>
    %convert_element_type3A_1158 = arith.extui %and3A_1157 : vector<56x28xi1> to vector<56x28xi32>
    %convert_element_type3A_1159 = arith.sitofp %convert_element_type3A_1158 : vector<56x28xi32> to vector<56x28xf32>
    %dot_general3A_1160 = arith.constant dense<0.000000e+00> : vector<28x128xf32>
    %dot_general3A_1161 = tpu.matmul %convert_element_type3A_1159, %max3A_1112, %dot_general3A_1160 {dimension_numbers = #tpu.dot_dimension_numbers<[0], [0], [1], [1], [0, 1, 1, 1], [], []>, precision = #tpu.contract_precision<fp32>, transpose_lhs_hint = false} : vector<56x28xf32>, vector<56x128xf32>, vector<28x128xf32> -> vector<28x128xf32>
    %reduce_max3A_1162 = arith.constant dense<0xFF800000> : vector<128xf32>
    %reduce_max3A_1163 = vector.multi_reduction <maximumf>, %dot_general3A_1161, %reduce_max3A_1162 [0] : vector<28x128xf32> to vector<128xf32>
    %broadcast_in_dim3A_1164 = vector.shape_cast %reduce_max3A_1163 : vector<128xf32> to vector<1x128xf32>
    %reduce_sum3A_1165 = arith.constant dense<0.000000e+00> : vector<128xf32>
    %reduce_sum3A_1166 = vector.multi_reduction <add>, %dot_general3A_1161, %reduce_sum3A_1165 [0] : vector<28x128xf32> to vector<128xf32>
    %broadcast_in_dim3A_1167 = vector.shape_cast %reduce_sum3A_1166 : vector<128xf32> to vector<1x128xf32>
    %div3A_1168 = arith.constant 2.800000e+01 : f32
    %div3A_1169 = vector.broadcast %div3A_1168 : f32 to vector<1x128xf32>
    %div3A_1170 = arith.divf %broadcast_in_dim3A_1167, %div3A_1169 : vector<1x128xf32>
    %concatenate3A_1171 = tpu.concatenate %broadcast_in_dim3A_1164, %div3A_1170 in 1 : vector<1x128xf32>, vector<1x128xf32> -> vector<1x256xf32>
    %max3A_1172 = arith.constant 0.000000e+00 : f32
    %max3A_1173 = vector.broadcast %max3A_1172 : f32 to vector<1x256xf32>
    %max3A_1174 = arith.maximumf %concatenate3A_444, %max3A_1173 : vector<1x256xf32>
    %max3A_1175 = arith.constant 0.000000e+00 : f32
    %max3A_1176 = vector.broadcast %max3A_1175 : f32 to vector<1x256xf32>
    %max3A_1177 = arith.maximumf %concatenate3A_1171, %max3A_1176 : vector<1x256xf32>
    %add3A_1178 = arith.addf %max3A_1174, %max3A_1177 : vector<1x256xf32>
    %swap3A_1179 = arith.constant 4 : index
    %swap3A_1180 = arith.constant 0 : index
    %swap3A_1181 = arith.constant 0 : index
    %swap3A_1182 = vector.load %arg5[%swap3A_1179, %swap3A_1180, %swap3A_1181] : memref<8x28x128xf32, #tpu.memory_space<vmem>>, vector<1x28x128xf32>
    %swap3A_1183 = vector.shape_cast %swap3A_1182 : vector<1x28x128xf32> to vector<28x128xf32>
    %swap3A_1184 = vector.shape_cast %dot_general3A_1161 : vector<28x128xf32> to vector<1x28x128xf32>
    tpu.vector_store %arg5[%swap3A_1179, %swap3A_1180, %swap3A_1181], %swap3A_1184 {strides = array<i32>} : memref<8x28x128xf32, #tpu.memory_space<vmem>>, vector<1x28x128xf32>,
    %swap3A_1185 = arith.constant 4 : index
    %swap3A_1186 = arith.constant 0 : index
    %swap3A_1187 = arith.constant 0 : index
    %swap3A_1188 = vector.load %arg6[%swap3A_1185, %swap3A_1186, %swap3A_1187] : memref<8x1x256xf32, #tpu.memory_space<vmem>>, vector<1x1x256xf32>
    %swap3A_1189 = vector.shape_cast %swap3A_1188 : vector<1x1x256xf32> to vector<1x256xf32>
    %swap3A_1190 = vector.shape_cast %add3A_1178 : vector<1x256xf32> to vector<1x1x256xf32>
    tpu.vector_store %arg6[%swap3A_1185, %swap3A_1186, %swap3A_1187], %swap3A_1190 {strides = array<i32>} : memref<8x1x256xf32, #tpu.memory_space<vmem>>, vector<1x1x256xf32>,
    %slice3A_1191 = vector.extract_strided_slice %dot_general3A_711 {offsets = [280, 0], sizes = [56, 128], strides = [1, 1]} : vector<448x128xf32> to vector<56x128xf32>
    %reduce_sum3A_1192 = arith.constant dense<0.000000e+00> : vector<56xf32>
    %reduce_sum3A_1193 = vector.multi_reduction <add>, %slice3A_522, %reduce_sum3A_1192 [1] : vector<56x56xf32> to vector<56xf32>
    %broadcast_in_dim3A_1194 = vector.shape_cast %reduce_sum3A_1193 : vector<56xf32> to vector<56x1xf32>
    %add3A_1195 = arith.constant 1.000000e+00 : f32
    %add3A_1196 = vector.broadcast %add3A_1195 : f32 to vector<56x1xf32>
    %add3A_1197 = arith.addf %broadcast_in_dim3A_1194, %add3A_1196 : vector<56x1xf32>
    %rsqrt3A_1198 = math.rsqrt %add3A_1197 : vector<56x1xf32>
    %mul3A_1199 = vector.broadcast %rsqrt3A_1198 : vector<56x1xf32> to vector<56x128xf32>
    %mul3A_1200 = arith.mulf %mul3A_1199, %slice3A_1191 : vector<56x128xf32>
    %dot_general3A_1201 = arith.constant dense<0.000000e+00> : vector<56x128xf32>
    %dot_general3A_1202 = tpu.matmul %slice3A_522, %mul3A_1200, %dot_general3A_1201 {dimension_numbers = #tpu.dot_dimension_numbers<[1], [0], [0], [1], [0, 0, 1, 1], [], []>, precision = #tpu.contract_precision<fp32>, transpose_lhs_hint = false} : vector<56x56xf32>, vector<56x128xf32>, vector<56x128xf32> -> vector<56x128xf32>
    %add3A_1203 = arith.addf %dot_general3A_1202, %mul3A_1200 : vector<56x128xf32>
    %mul3A_1204 = vector.broadcast %rsqrt3A_1198 : vector<56x1xf32> to vector<56x128xf32>
    %mul3A_1205 = arith.mulf %mul3A_1204, %add3A_1203 : vector<56x128xf32>
    %max3A_1206 = arith.constant 0.000000e+00 : f32
    %max3A_1207 = vector.broadcast %max3A_1206 : f32 to vector<56x128xf32>
    %max3A_1208 = arith.maximumf %mul3A_1205, %max3A_1207 : vector<56x128xf32>
    %dot_general3A_1209 = arith.constant dense<0.000000e+00> : vector<56x128xf32>
    %dot_general3A_1210 = tpu.matmul %slice3A_522, %max3A_1208, %dot_general3A_1209 {dimension_numbers = #tpu.dot_dimension_numbers<[1], [0], [0], [1], [0, 0, 1, 1], [], []>, precision = #tpu.contract_precision<fp32>, transpose_lhs_hint = false} : vector<56x56xf32>, vector<56x128xf32>, vector<56x128xf32> -> vector<56x128xf32>
    %add3A_1211 = arith.constant 1.000000e-10 : f32
    %add3A_1212 = vector.broadcast %add3A_1211 : f32 to vector<56x1xf32>
    %add3A_1213 = arith.addf %broadcast_in_dim3A_1194, %add3A_1212 : vector<56x1xf32>
    %div3A_1214 = vector.broadcast %add3A_1213 : vector<56x1xf32> to vector<56x128xf32>
    %div3A_1215 = arith.divf %dot_general3A_1210, %div3A_1214 : vector<56x128xf32>
    %sub3A_1216 = arith.subf %max3A_1208, %div3A_1215 : vector<56x128xf32>
    %abs3A_1217 = math.absf %sub3A_1216 : vector<56x128xf32>
    %reduce_sum3A_1218 = arith.constant dense<0.000000e+00> : vector<56xf32>
    %reduce_sum3A_1219 = vector.multi_reduction <add>, %abs3A_1217, %reduce_sum3A_1218 [1] : vector<56x128xf32> to vector<56xf32>
    %broadcast_in_dim3A_1220 = vector.shape_cast %reduce_sum3A_1219 : vector<56xf32> to vector<56x1xf32>
    %transpose3A_1221 = tpu.transpose %broadcast_in_dim3A_1220, [1, 0] : vector<56x1xf32> -> vector<1x56xf32>
    %gt3A_1222 = vector.broadcast %transpose3A_1221 : vector<1x56xf32> to vector<56x56xf32>
    %gt3A_1223 = vector.broadcast %broadcast_in_dim3A_1220 : vector<56x1xf32> to vector<56x56xf32>
    %gt3A_1224 = arith.cmpf ogt, %gt3A_1222, %gt3A_1223 : vector<56x56xf32>
    %eq3A_1225 = vector.broadcast %transpose3A_1221 : vector<1x56xf32> to vector<56x56xf32>
    %eq3A_1226 = vector.broadcast %broadcast_in_dim3A_1220 : vector<56x1xf32> to vector<56x56xf32>
    %eq3A_1227 = arith.cmpf oeq, %eq3A_1225, %eq3A_1226 : vector<56x56xf32>
    %and3A_1228 = arith.andi %eq3A_1227, %lt3A_13 : vector<56x56xi1>
    %or3A_1229 = arith.ori %gt3A_1224, %and3A_1228 : vector<56x56xi1>
    %convert_element_type3A_1230 = arith.extui %or3A_1229 : vector<56x56xi1> to vector<56x56xi32>
    %convert_element_type3A_1231 = arith.sitofp %convert_element_type3A_1230 : vector<56x56xi32> to vector<56x56xf32>
    %reduce_sum3A_1232 = arith.constant dense<0.000000e+00> : vector<56xf32>
    %reduce_sum3A_1233 = vector.multi_reduction <add>, %convert_element_type3A_1231, %reduce_sum3A_1232 [1] : vector<56x56xf32> to vector<56xf32>
    %broadcast_in_dim3A_1234 = vector.shape_cast %reduce_sum3A_1233 : vector<56xf32> to vector<56x1xf32>
    %lt3A_1235 = arith.constant 2.800000e+01 : f32
    %lt3A_1236 = vector.broadcast %lt3A_1235 : f32 to vector<56x1xf32>
    %lt3A_1237 = arith.cmpf olt, %broadcast_in_dim3A_1234, %lt3A_1236 : vector<56x1xf32>
    %convert_element_type3A_1238 = arith.extui %lt3A_1237 : vector<56x1xi1> to vector<56x1xi32>
    %convert_element_type3A_1239 = arith.sitofp %convert_element_type3A_1238 : vector<56x1xi32> to vector<56x1xf32>
    %dot_general3A_1240 = arith.constant dense<0.000000e+00> : vector<56x1xf32>
    %dot_general3A_1241 = tpu.matmul %convert_element_type3A_16, %convert_element_type3A_1239, %dot_general3A_1240 {dimension_numbers = #tpu.dot_dimension_numbers<[1], [0], [0], [1], [0, 0, 1, 1], [], []>, transpose_lhs_hint = false} : vector<56x56xf32>, vector<56x1xf32>, vector<56x1xf32> -> vector<56x1xf32>
    %sub3A_1242 = arith.constant 1.000000e+00 : f32
    %sub3A_1243 = vector.broadcast %sub3A_1242 : f32 to vector<56x1xf32>
    %sub3A_1244 = arith.subf %dot_general3A_1241, %sub3A_1243 : vector<56x1xf32>
    %iota3A_1245 = tpu.iota {dimensions = array<i32: 1>} : vector<56x28xi32>
    %convert_element_type3A_1246 = arith.fptosi %sub3A_1244 : vector<56x1xf32> to vector<56x1xi32>
    %eq3A_1247 = vector.broadcast %convert_element_type3A_1246 : vector<56x1xi32> to vector<56x28xi32>
    %eq3A_1248 = arith.cmpi eq, %eq3A_1247, %iota3A_1245 : vector<56x28xi32>
    %gt3A_1249 = arith.constant 0.000000e+00 : f32
    %gt3A_1250 = vector.broadcast %gt3A_1249 : f32 to vector<56x1xf32>
    %gt3A_1251 = arith.cmpf ogt, %convert_element_type3A_1239, %gt3A_1250 : vector<56x1xf32>
    %and3A_1252 = vector.broadcast %gt3A_1251 : vector<56x1xi1> to vector<56x28xi1>
    %and3A_1253 = arith.andi %eq3A_1248, %and3A_1252 : vector<56x28xi1>
    %convert_element_type3A_1254 = arith.extui %and3A_1253 : vector<56x28xi1> to vector<56x28xi32>
    %convert_element_type3A_1255 = arith.sitofp %convert_element_type3A_1254 : vector<56x28xi32> to vector<56x28xf32>
    %dot_general3A_1256 = arith.constant dense<0.000000e+00> : vector<28x128xf32>
    %dot_general3A_1257 = tpu.matmul %convert_element_type3A_1255, %max3A_1208, %dot_general3A_1256 {dimension_numbers = #tpu.dot_dimension_numbers<[0], [0], [1], [1], [0, 1, 1, 1], [], []>, precision = #tpu.contract_precision<fp32>, transpose_lhs_hint = false} : vector<56x28xf32>, vector<56x128xf32>, vector<28x128xf32> -> vector<28x128xf32>
    %reduce_max3A_1258 = arith.constant dense<0xFF800000> : vector<128xf32>
    %reduce_max3A_1259 = vector.multi_reduction <maximumf>, %dot_general3A_1257, %reduce_max3A_1258 [0] : vector<28x128xf32> to vector<128xf32>
    %broadcast_in_dim3A_1260 = vector.shape_cast %reduce_max3A_1259 : vector<128xf32> to vector<1x128xf32>
    %reduce_sum3A_1261 = arith.constant dense<0.000000e+00> : vector<128xf32>
    %reduce_sum3A_1262 = vector.multi_reduction <add>, %dot_general3A_1257, %reduce_sum3A_1261 [0] : vector<28x128xf32> to vector<128xf32>
    %broadcast_in_dim3A_1263 = vector.shape_cast %reduce_sum3A_1262 : vector<128xf32> to vector<1x128xf32>
    %div3A_1264 = arith.constant 2.800000e+01 : f32
    %div3A_1265 = vector.broadcast %div3A_1264 : f32 to vector<1x128xf32>
    %div3A_1266 = arith.divf %broadcast_in_dim3A_1263, %div3A_1265 : vector<1x128xf32>
    %concatenate3A_1267 = tpu.concatenate %broadcast_in_dim3A_1260, %div3A_1266 in 1 : vector<1x128xf32>, vector<1x128xf32> -> vector<1x256xf32>
    %max3A_1268 = arith.constant 0.000000e+00 : f32
    %max3A_1269 = vector.broadcast %max3A_1268 : f32 to vector<1x256xf32>
    %max3A_1270 = arith.maximumf %concatenate3A_532, %max3A_1269 : vector<1x256xf32>
    %max3A_1271 = arith.constant 0.000000e+00 : f32
    %max3A_1272 = vector.broadcast %max3A_1271 : f32 to vector<1x256xf32>
    %max3A_1273 = arith.maximumf %concatenate3A_1267, %max3A_1272 : vector<1x256xf32>
    %add3A_1274 = arith.addf %max3A_1270, %max3A_1273 : vector<1x256xf32>
    %swap3A_1275 = arith.constant 5 : index
    %swap3A_1276 = arith.constant 0 : index
    %swap3A_1277 = arith.constant 0 : index
    %swap3A_1278 = vector.load %arg5[%swap3A_1275, %swap3A_1276, %swap3A_1277] : memref<8x28x128xf32, #tpu.memory_space<vmem>>, vector<1x28x128xf32>
    %swap3A_1279 = vector.shape_cast %swap3A_1278 : vector<1x28x128xf32> to vector<28x128xf32>
    %swap3A_1280 = vector.shape_cast %dot_general3A_1257 : vector<28x128xf32> to vector<1x28x128xf32>
    tpu.vector_store %arg5[%swap3A_1275, %swap3A_1276, %swap3A_1277], %swap3A_1280 {strides = array<i32>} : memref<8x28x128xf32, #tpu.memory_space<vmem>>, vector<1x28x128xf32>,
    %swap3A_1281 = arith.constant 5 : index
    %swap3A_1282 = arith.constant 0 : index
    %swap3A_1283 = arith.constant 0 : index
    %swap3A_1284 = vector.load %arg6[%swap3A_1281, %swap3A_1282, %swap3A_1283] : memref<8x1x256xf32, #tpu.memory_space<vmem>>, vector<1x1x256xf32>
    %swap3A_1285 = vector.shape_cast %swap3A_1284 : vector<1x1x256xf32> to vector<1x256xf32>
    %swap3A_1286 = vector.shape_cast %add3A_1274 : vector<1x256xf32> to vector<1x1x256xf32>
    tpu.vector_store %arg6[%swap3A_1281, %swap3A_1282, %swap3A_1283], %swap3A_1286 {strides = array<i32>} : memref<8x1x256xf32, #tpu.memory_space<vmem>>, vector<1x1x256xf32>,
    %slice3A_1287 = vector.extract_strided_slice %dot_general3A_711 {offsets = [336, 0], sizes = [56, 128], strides = [1, 1]} : vector<448x128xf32> to vector<56x128xf32>
    %reduce_sum3A_1288 = arith.constant dense<0.000000e+00> : vector<56xf32>
    %reduce_sum3A_1289 = vector.multi_reduction <add>, %slice3A_610, %reduce_sum3A_1288 [1] : vector<56x56xf32> to vector<56xf32>
    %broadcast_in_dim3A_1290 = vector.shape_cast %reduce_sum3A_1289 : vector<56xf32> to vector<56x1xf32>
    %add3A_1291 = arith.constant 1.000000e+00 : f32
    %add3A_1292 = vector.broadcast %add3A_1291 : f32 to vector<56x1xf32>
    %add3A_1293 = arith.addf %broadcast_in_dim3A_1290, %add3A_1292 : vector<56x1xf32>
    %rsqrt3A_1294 = math.rsqrt %add3A_1293 : vector<56x1xf32>
    %mul3A_1295 = vector.broadcast %rsqrt3A_1294 : vector<56x1xf32> to vector<56x128xf32>
    %mul3A_1296 = arith.mulf %mul3A_1295, %slice3A_1287 : vector<56x128xf32>
    %dot_general3A_1297 = arith.constant dense<0.000000e+00> : vector<56x128xf32>
    %dot_general3A_1298 = tpu.matmul %slice3A_610, %mul3A_1296, %dot_general3A_1297 {dimension_numbers = #tpu.dot_dimension_numbers<[1], [0], [0], [1], [0, 0, 1, 1], [], []>, precision = #tpu.contract_precision<fp32>, transpose_lhs_hint = false} : vector<56x56xf32>, vector<56x128xf32>, vector<56x128xf32> -> vector<56x128xf32>
    %add3A_1299 = arith.addf %dot_general3A_1298, %mul3A_1296 : vector<56x128xf32>
    %mul3A_1300 = vector.broadcast %rsqrt3A_1294 : vector<56x1xf32> to vector<56x128xf32>
    %mul3A_1301 = arith.mulf %mul3A_1300, %add3A_1299 : vector<56x128xf32>
    %max3A_1302 = arith.constant 0.000000e+00 : f32
    %max3A_1303 = vector.broadcast %max3A_1302 : f32 to vector<56x128xf32>
    %max3A_1304 = arith.maximumf %mul3A_1301, %max3A_1303 : vector<56x128xf32>
    %dot_general3A_1305 = arith.constant dense<0.000000e+00> : vector<56x128xf32>
    %dot_general3A_1306 = tpu.matmul %slice3A_610, %max3A_1304, %dot_general3A_1305 {dimension_numbers = #tpu.dot_dimension_numbers<[1], [0], [0], [1], [0, 0, 1, 1], [], []>, precision = #tpu.contract_precision<fp32>, transpose_lhs_hint = false} : vector<56x56xf32>, vector<56x128xf32>, vector<56x128xf32> -> vector<56x128xf32>
    %add3A_1307 = arith.constant 1.000000e-10 : f32
    %add3A_1308 = vector.broadcast %add3A_1307 : f32 to vector<56x1xf32>
    %add3A_1309 = arith.addf %broadcast_in_dim3A_1290, %add3A_1308 : vector<56x1xf32>
    %div3A_1310 = vector.broadcast %add3A_1309 : vector<56x1xf32> to vector<56x128xf32>
    %div3A_1311 = arith.divf %dot_general3A_1306, %div3A_1310 : vector<56x128xf32>
    %sub3A_1312 = arith.subf %max3A_1304, %div3A_1311 : vector<56x128xf32>
    %abs3A_1313 = math.absf %sub3A_1312 : vector<56x128xf32>
    %reduce_sum3A_1314 = arith.constant dense<0.000000e+00> : vector<56xf32>
    %reduce_sum3A_1315 = vector.multi_reduction <add>, %abs3A_1313, %reduce_sum3A_1314 [1] : vector<56x128xf32> to vector<56xf32>
    %broadcast_in_dim3A_1316 = vector.shape_cast %reduce_sum3A_1315 : vector<56xf32> to vector<56x1xf32>
    %transpose3A_1317 = tpu.transpose %broadcast_in_dim3A_1316, [1, 0] : vector<56x1xf32> -> vector<1x56xf32>
    %gt3A_1318 = vector.broadcast %transpose3A_1317 : vector<1x56xf32> to vector<56x56xf32>
    %gt3A_1319 = vector.broadcast %broadcast_in_dim3A_1316 : vector<56x1xf32> to vector<56x56xf32>
    %gt3A_1320 = arith.cmpf ogt, %gt3A_1318, %gt3A_1319 : vector<56x56xf32>
    %eq3A_1321 = vector.broadcast %transpose3A_1317 : vector<1x56xf32> to vector<56x56xf32>
    %eq3A_1322 = vector.broadcast %broadcast_in_dim3A_1316 : vector<56x1xf32> to vector<56x56xf32>
    %eq3A_1323 = arith.cmpf oeq, %eq3A_1321, %eq3A_1322 : vector<56x56xf32>
    %and3A_1324 = arith.andi %eq3A_1323, %lt3A_13 : vector<56x56xi1>
    %or3A_1325 = arith.ori %gt3A_1320, %and3A_1324 : vector<56x56xi1>
    %convert_element_type3A_1326 = arith.extui %or3A_1325 : vector<56x56xi1> to vector<56x56xi32>
    %convert_element_type3A_1327 = arith.sitofp %convert_element_type3A_1326 : vector<56x56xi32> to vector<56x56xf32>
    %reduce_sum3A_1328 = arith.constant dense<0.000000e+00> : vector<56xf32>
    %reduce_sum3A_1329 = vector.multi_reduction <add>, %convert_element_type3A_1327, %reduce_sum3A_1328 [1] : vector<56x56xf32> to vector<56xf32>
    %broadcast_in_dim3A_1330 = vector.shape_cast %reduce_sum3A_1329 : vector<56xf32> to vector<56x1xf32>
    %lt3A_1331 = arith.constant 2.800000e+01 : f32
    %lt3A_1332 = vector.broadcast %lt3A_1331 : f32 to vector<56x1xf32>
    %lt3A_1333 = arith.cmpf olt, %broadcast_in_dim3A_1330, %lt3A_1332 : vector<56x1xf32>
    %convert_element_type3A_1334 = arith.extui %lt3A_1333 : vector<56x1xi1> to vector<56x1xi32>
    %convert_element_type3A_1335 = arith.sitofp %convert_element_type3A_1334 : vector<56x1xi32> to vector<56x1xf32>
    %dot_general3A_1336 = arith.constant dense<0.000000e+00> : vector<56x1xf32>
    %dot_general3A_1337 = tpu.matmul %convert_element_type3A_16, %convert_element_type3A_1335, %dot_general3A_1336 {dimension_numbers = #tpu.dot_dimension_numbers<[1], [0], [0], [1], [0, 0, 1, 1], [], []>, transpose_lhs_hint = false} : vector<56x56xf32>, vector<56x1xf32>, vector<56x1xf32> -> vector<56x1xf32>
    %sub3A_1338 = arith.constant 1.000000e+00 : f32
    %sub3A_1339 = vector.broadcast %sub3A_1338 : f32 to vector<56x1xf32>
    %sub3A_1340 = arith.subf %dot_general3A_1337, %sub3A_1339 : vector<56x1xf32>
    %iota3A_1341 = tpu.iota {dimensions = array<i32: 1>} : vector<56x28xi32>
    %convert_element_type3A_1342 = arith.fptosi %sub3A_1340 : vector<56x1xf32> to vector<56x1xi32>
    %eq3A_1343 = vector.broadcast %convert_element_type3A_1342 : vector<56x1xi32> to vector<56x28xi32>
    %eq3A_1344 = arith.cmpi eq, %eq3A_1343, %iota3A_1341 : vector<56x28xi32>
    %gt3A_1345 = arith.constant 0.000000e+00 : f32
    %gt3A_1346 = vector.broadcast %gt3A_1345 : f32 to vector<56x1xf32>
    %gt3A_1347 = arith.cmpf ogt, %convert_element_type3A_1335, %gt3A_1346 : vector<56x1xf32>
    %and3A_1348 = vector.broadcast %gt3A_1347 : vector<56x1xi1> to vector<56x28xi1>
    %and3A_1349 = arith.andi %eq3A_1344, %and3A_1348 : vector<56x28xi1>
    %convert_element_type3A_1350 = arith.extui %and3A_1349 : vector<56x28xi1> to vector<56x28xi32>
    %convert_element_type3A_1351 = arith.sitofp %convert_element_type3A_1350 : vector<56x28xi32> to vector<56x28xf32>
    %dot_general3A_1352 = arith.constant dense<0.000000e+00> : vector<28x128xf32>
    %dot_general3A_1353 = tpu.matmul %convert_element_type3A_1351, %max3A_1304, %dot_general3A_1352 {dimension_numbers = #tpu.dot_dimension_numbers<[0], [0], [1], [1], [0, 1, 1, 1], [], []>, precision = #tpu.contract_precision<fp32>, transpose_lhs_hint = false} : vector<56x28xf32>, vector<56x128xf32>, vector<28x128xf32> -> vector<28x128xf32>
    %reduce_max3A_1354 = arith.constant dense<0xFF800000> : vector<128xf32>
    %reduce_max3A_1355 = vector.multi_reduction <maximumf>, %dot_general3A_1353, %reduce_max3A_1354 [0] : vector<28x128xf32> to vector<128xf32>
    %broadcast_in_dim3A_1356 = vector.shape_cast %reduce_max3A_1355 : vector<128xf32> to vector<1x128xf32>
    %reduce_sum3A_1357 = arith.constant dense<0.000000e+00> : vector<128xf32>
    %reduce_sum3A_1358 = vector.multi_reduction <add>, %dot_general3A_1353, %reduce_sum3A_1357 [0] : vector<28x128xf32> to vector<128xf32>
    %broadcast_in_dim3A_1359 = vector.shape_cast %reduce_sum3A_1358 : vector<128xf32> to vector<1x128xf32>
    %div3A_1360 = arith.constant 2.800000e+01 : f32
    %div3A_1361 = vector.broadcast %div3A_1360 : f32 to vector<1x128xf32>
    %div3A_1362 = arith.divf %broadcast_in_dim3A_1359, %div3A_1361 : vector<1x128xf32>
    %concatenate3A_1363 = tpu.concatenate %broadcast_in_dim3A_1356, %div3A_1362 in 1 : vector<1x128xf32>, vector<1x128xf32> -> vector<1x256xf32>
    %max3A_1364 = arith.constant 0.000000e+00 : f32
    %max3A_1365 = vector.broadcast %max3A_1364 : f32 to vector<1x256xf32>
    %max3A_1366 = arith.maximumf %concatenate3A_620, %max3A_1365 : vector<1x256xf32>
    %max3A_1367 = arith.constant 0.000000e+00 : f32
    %max3A_1368 = vector.broadcast %max3A_1367 : f32 to vector<1x256xf32>
    %max3A_1369 = arith.maximumf %concatenate3A_1363, %max3A_1368 : vector<1x256xf32>
    %add3A_1370 = arith.addf %max3A_1366, %max3A_1369 : vector<1x256xf32>
    %swap3A_1371 = arith.constant 6 : index
    %swap3A_1372 = arith.constant 0 : index
    %swap3A_1373 = arith.constant 0 : index
    %swap3A_1374 = vector.load %arg5[%swap3A_1371, %swap3A_1372, %swap3A_1373] : memref<8x28x128xf32, #tpu.memory_space<vmem>>, vector<1x28x128xf32>
    %swap3A_1375 = vector.shape_cast %swap3A_1374 : vector<1x28x128xf32> to vector<28x128xf32>
    %swap3A_1376 = vector.shape_cast %dot_general3A_1353 : vector<28x128xf32> to vector<1x28x128xf32>
    tpu.vector_store %arg5[%swap3A_1371, %swap3A_1372, %swap3A_1373], %swap3A_1376 {strides = array<i32>} : memref<8x28x128xf32, #tpu.memory_space<vmem>>, vector<1x28x128xf32>,
    %swap3A_1377 = arith.constant 6 : index
    %swap3A_1378 = arith.constant 0 : index
    %swap3A_1379 = arith.constant 0 : index
    %swap3A_1380 = vector.load %arg6[%swap3A_1377, %swap3A_1378, %swap3A_1379] : memref<8x1x256xf32, #tpu.memory_space<vmem>>, vector<1x1x256xf32>
    %swap3A_1381 = vector.shape_cast %swap3A_1380 : vector<1x1x256xf32> to vector<1x256xf32>
    %swap3A_1382 = vector.shape_cast %add3A_1370 : vector<1x256xf32> to vector<1x1x256xf32>
    tpu.vector_store %arg6[%swap3A_1377, %swap3A_1378, %swap3A_1379], %swap3A_1382 {strides = array<i32>} : memref<8x1x256xf32, #tpu.memory_space<vmem>>, vector<1x1x256xf32>,
    %slice3A_1383 = vector.extract_strided_slice %dot_general3A_711 {offsets = [392, 0], sizes = [56, 128], strides = [1, 1]} : vector<448x128xf32> to vector<56x128xf32>
    %reduce_sum3A_1384 = arith.constant dense<0.000000e+00> : vector<56xf32>
    %reduce_sum3A_1385 = vector.multi_reduction <add>, %slice3A_698, %reduce_sum3A_1384 [1] : vector<56x56xf32> to vector<56xf32>
    %broadcast_in_dim3A_1386 = vector.shape_cast %reduce_sum3A_1385 : vector<56xf32> to vector<56x1xf32>
    %add3A_1387 = arith.constant 1.000000e+00 : f32
    %add3A_1388 = vector.broadcast %add3A_1387 : f32 to vector<56x1xf32>
    %add3A_1389 = arith.addf %broadcast_in_dim3A_1386, %add3A_1388 : vector<56x1xf32>
    %rsqrt3A_1390 = math.rsqrt %add3A_1389 : vector<56x1xf32>
    %mul3A_1391 = vector.broadcast %rsqrt3A_1390 : vector<56x1xf32> to vector<56x128xf32>
    %mul3A_1392 = arith.mulf %mul3A_1391, %slice3A_1383 : vector<56x128xf32>
    %dot_general3A_1393 = arith.constant dense<0.000000e+00> : vector<56x128xf32>
    %dot_general3A_1394 = tpu.matmul %slice3A_698, %mul3A_1392, %dot_general3A_1393 {dimension_numbers = #tpu.dot_dimension_numbers<[1], [0], [0], [1], [0, 0, 1, 1], [], []>, precision = #tpu.contract_precision<fp32>, transpose_lhs_hint = false} : vector<56x56xf32>, vector<56x128xf32>, vector<56x128xf32> -> vector<56x128xf32>
    %add3A_1395 = arith.addf %dot_general3A_1394, %mul3A_1392 : vector<56x128xf32>
    %mul3A_1396 = vector.broadcast %rsqrt3A_1390 : vector<56x1xf32> to vector<56x128xf32>
    %mul3A_1397 = arith.mulf %mul3A_1396, %add3A_1395 : vector<56x128xf32>
    %max3A_1398 = arith.constant 0.000000e+00 : f32
    %max3A_1399 = vector.broadcast %max3A_1398 : f32 to vector<56x128xf32>
    %max3A_1400 = arith.maximumf %mul3A_1397, %max3A_1399 : vector<56x128xf32>
    %dot_general3A_1401 = arith.constant dense<0.000000e+00> : vector<56x128xf32>
    %dot_general3A_1402 = tpu.matmul %slice3A_698, %max3A_1400, %dot_general3A_1401 {dimension_numbers = #tpu.dot_dimension_numbers<[1], [0], [0], [1], [0, 0, 1, 1], [], []>, precision = #tpu.contract_precision<fp32>, transpose_lhs_hint = false} : vector<56x56xf32>, vector<56x128xf32>, vector<56x128xf32> -> vector<56x128xf32>
    %add3A_1403 = arith.constant 1.000000e-10 : f32
    %add3A_1404 = vector.broadcast %add3A_1403 : f32 to vector<56x1xf32>
    %add3A_1405 = arith.addf %broadcast_in_dim3A_1386, %add3A_1404 : vector<56x1xf32>
    %div3A_1406 = vector.broadcast %add3A_1405 : vector<56x1xf32> to vector<56x128xf32>
    %div3A_1407 = arith.divf %dot_general3A_1402, %div3A_1406 : vector<56x128xf32>
    %sub3A_1408 = arith.subf %max3A_1400, %div3A_1407 : vector<56x128xf32>
    %abs3A_1409 = math.absf %sub3A_1408 : vector<56x128xf32>
    %reduce_sum3A_1410 = arith.constant dense<0.000000e+00> : vector<56xf32>
    %reduce_sum3A_1411 = vector.multi_reduction <add>, %abs3A_1409, %reduce_sum3A_1410 [1] : vector<56x128xf32> to vector<56xf32>
    %broadcast_in_dim3A_1412 = vector.shape_cast %reduce_sum3A_1411 : vector<56xf32> to vector<56x1xf32>
    %transpose3A_1413 = tpu.transpose %broadcast_in_dim3A_1412, [1, 0] : vector<56x1xf32> -> vector<1x56xf32>
    %gt3A_1414 = vector.broadcast %transpose3A_1413 : vector<1x56xf32> to vector<56x56xf32>
    %gt3A_1415 = vector.broadcast %broadcast_in_dim3A_1412 : vector<56x1xf32> to vector<56x56xf32>
    %gt3A_1416 = arith.cmpf ogt, %gt3A_1414, %gt3A_1415 : vector<56x56xf32>
    %eq3A_1417 = vector.broadcast %transpose3A_1413 : vector<1x56xf32> to vector<56x56xf32>
    %eq3A_1418 = vector.broadcast %broadcast_in_dim3A_1412 : vector<56x1xf32> to vector<56x56xf32>
    %eq3A_1419 = arith.cmpf oeq, %eq3A_1417, %eq3A_1418 : vector<56x56xf32>
    %and3A_1420 = arith.andi %eq3A_1419, %lt3A_13 : vector<56x56xi1>
    %or3A_1421 = arith.ori %gt3A_1416, %and3A_1420 : vector<56x56xi1>
    %convert_element_type3A_1422 = arith.extui %or3A_1421 : vector<56x56xi1> to vector<56x56xi32>
    %convert_element_type3A_1423 = arith.sitofp %convert_element_type3A_1422 : vector<56x56xi32> to vector<56x56xf32>
    %reduce_sum3A_1424 = arith.constant dense<0.000000e+00> : vector<56xf32>
    %reduce_sum3A_1425 = vector.multi_reduction <add>, %convert_element_type3A_1423, %reduce_sum3A_1424 [1] : vector<56x56xf32> to vector<56xf32>
    %broadcast_in_dim3A_1426 = vector.shape_cast %reduce_sum3A_1425 : vector<56xf32> to vector<56x1xf32>
    %lt3A_1427 = arith.constant 2.800000e+01 : f32
    %lt3A_1428 = vector.broadcast %lt3A_1427 : f32 to vector<56x1xf32>
    %lt3A_1429 = arith.cmpf olt, %broadcast_in_dim3A_1426, %lt3A_1428 : vector<56x1xf32>
    %convert_element_type3A_1430 = arith.extui %lt3A_1429 : vector<56x1xi1> to vector<56x1xi32>
    %convert_element_type3A_1431 = arith.sitofp %convert_element_type3A_1430 : vector<56x1xi32> to vector<56x1xf32>
    %dot_general3A_1432 = arith.constant dense<0.000000e+00> : vector<56x1xf32>
    %dot_general3A_1433 = tpu.matmul %convert_element_type3A_16, %convert_element_type3A_1431, %dot_general3A_1432 {dimension_numbers = #tpu.dot_dimension_numbers<[1], [0], [0], [1], [0, 0, 1, 1], [], []>, transpose_lhs_hint = false} : vector<56x56xf32>, vector<56x1xf32>, vector<56x1xf32> -> vector<56x1xf32>
    %sub3A_1434 = arith.constant 1.000000e+00 : f32
    %sub3A_1435 = vector.broadcast %sub3A_1434 : f32 to vector<56x1xf32>
    %sub3A_1436 = arith.subf %dot_general3A_1433, %sub3A_1435 : vector<56x1xf32>
    %iota3A_1437 = tpu.iota {dimensions = array<i32: 1>} : vector<56x28xi32>
    %convert_element_type3A_1438 = arith.fptosi %sub3A_1436 : vector<56x1xf32> to vector<56x1xi32>
    %eq3A_1439 = vector.broadcast %convert_element_type3A_1438 : vector<56x1xi32> to vector<56x28xi32>
    %eq3A_1440 = arith.cmpi eq, %eq3A_1439, %iota3A_1437 : vector<56x28xi32>
    %gt3A_1441 = arith.constant 0.000000e+00 : f32
    %gt3A_1442 = vector.broadcast %gt3A_1441 : f32 to vector<56x1xf32>
    %gt3A_1443 = arith.cmpf ogt, %convert_element_type3A_1431, %gt3A_1442 : vector<56x1xf32>
    %and3A_1444 = vector.broadcast %gt3A_1443 : vector<56x1xi1> to vector<56x28xi1>
    %and3A_1445 = arith.andi %eq3A_1440, %and3A_1444 : vector<56x28xi1>
    %convert_element_type3A_1446 = arith.extui %and3A_1445 : vector<56x28xi1> to vector<56x28xi32>
    %convert_element_type3A_1447 = arith.sitofp %convert_element_type3A_1446 : vector<56x28xi32> to vector<56x28xf32>
    %dot_general3A_1448 = arith.constant dense<0.000000e+00> : vector<28x128xf32>
    %dot_general3A_1449 = tpu.matmul %convert_element_type3A_1447, %max3A_1400, %dot_general3A_1448 {dimension_numbers = #tpu.dot_dimension_numbers<[0], [0], [1], [1], [0, 1, 1, 1], [], []>, precision = #tpu.contract_precision<fp32>, transpose_lhs_hint = false} : vector<56x28xf32>, vector<56x128xf32>, vector<28x128xf32> -> vector<28x128xf32>
    %reduce_max3A_1450 = arith.constant dense<0xFF800000> : vector<128xf32>
    %reduce_max3A_1451 = vector.multi_reduction <maximumf>, %dot_general3A_1449, %reduce_max3A_1450 [0] : vector<28x128xf32> to vector<128xf32>
    %broadcast_in_dim3A_1452 = vector.shape_cast %reduce_max3A_1451 : vector<128xf32> to vector<1x128xf32>
    %reduce_sum3A_1453 = arith.constant dense<0.000000e+00> : vector<128xf32>
    %reduce_sum3A_1454 = vector.multi_reduction <add>, %dot_general3A_1449, %reduce_sum3A_1453 [0] : vector<28x128xf32> to vector<128xf32>
    %broadcast_in_dim3A_1455 = vector.shape_cast %reduce_sum3A_1454 : vector<128xf32> to vector<1x128xf32>
    %div3A_1456 = arith.constant 2.800000e+01 : f32
    %div3A_1457 = vector.broadcast %div3A_1456 : f32 to vector<1x128xf32>
    %div3A_1458 = arith.divf %broadcast_in_dim3A_1455, %div3A_1457 : vector<1x128xf32>
    %concatenate3A_1459 = tpu.concatenate %broadcast_in_dim3A_1452, %div3A_1458 in 1 : vector<1x128xf32>, vector<1x128xf32> -> vector<1x256xf32>
    %max3A_1460 = arith.constant 0.000000e+00 : f32
    %max3A_1461 = vector.broadcast %max3A_1460 : f32 to vector<1x256xf32>
    %max3A_1462 = arith.maximumf %concatenate3A_708, %max3A_1461 : vector<1x256xf32>
    %max3A_1463 = arith.constant 0.000000e+00 : f32
    %max3A_1464 = vector.broadcast %max3A_1463 : f32 to vector<1x256xf32>
    %max3A_1465 = arith.maximumf %concatenate3A_1459, %max3A_1464 : vector<1x256xf32>
    %add3A_1466 = arith.addf %max3A_1462, %max3A_1465 : vector<1x256xf32>
    %swap3A_1467 = arith.constant 7 : index
    %swap3A_1468 = arith.constant 0 : index
    %swap3A_1469 = arith.constant 0 : index
    %swap3A_1470 = vector.load %arg5[%swap3A_1467, %swap3A_1468, %swap3A_1469] : memref<8x28x128xf32, #tpu.memory_space<vmem>>, vector<1x28x128xf32>
    %swap3A_1471 = vector.shape_cast %swap3A_1470 : vector<1x28x128xf32> to vector<28x128xf32>
    %swap3A_1472 = vector.shape_cast %dot_general3A_1449 : vector<28x128xf32> to vector<1x28x128xf32>
    tpu.vector_store %arg5[%swap3A_1467, %swap3A_1468, %swap3A_1469], %swap3A_1472 {strides = array<i32>} : memref<8x28x128xf32, #tpu.memory_space<vmem>>, vector<1x28x128xf32>,
    %swap3A_1473 = arith.constant 7 : index
    %swap3A_1474 = arith.constant 0 : index
    %swap3A_1475 = arith.constant 0 : index
    %swap3A_1476 = vector.load %arg6[%swap3A_1473, %swap3A_1474, %swap3A_1475] : memref<8x1x256xf32, #tpu.memory_space<vmem>>, vector<1x1x256xf32>
    %swap3A_1477 = vector.shape_cast %swap3A_1476 : vector<1x1x256xf32> to vector<1x256xf32>
    %swap3A_1478 = vector.shape_cast %add3A_1466 : vector<1x256xf32> to vector<1x1x256xf32>
    tpu.vector_store %arg6[%swap3A_1473, %swap3A_1474, %swap3A_1475], %swap3A_1478 {strides = array<i32>} : memref<8x1x256xf32, #tpu.memory_space<vmem>>, vector<1x1x256xf32>,
    return
  }
  func.func @transform_0(%arg0: i32) -> (i32, i32, i32) {
    %c0_i32 = arith.constant 0 : i32
    %c0_i32_0 = arith.constant 0 : i32
    %c0_i32_1 = arith.constant 0 : i32
    return %arg0, %c0_i32, %c0_i32_0 : i32, i32, i32
  }
  func.func @transform_1(%arg0: i32) -> (i32, i32, i32) {
    %c0_i32 = arith.constant 0 : i32
    %c0_i32_0 = arith.constant 0 : i32
    %c0_i32_1 = arith.constant 0 : i32
    return %arg0, %c0_i32, %c0_i32_0 : i32, i32, i32
  }
  func.func @transform_2(%arg0: i32) -> (i32, i32, i32) {
    %c0_i32 = arith.constant 0 : i32
    %c0_i32_0 = arith.constant 0 : i32
    %c0_i32_1 = arith.constant 0 : i32
    %c0_i32_2 = arith.constant 0 : i32
    return %c0_i32, %c0_i32_0, %c0_i32_1 : i32, i32, i32
  }
  func.func @transform_3(%arg0: i32) -> (i32, i32, i32) {
    %c0_i32 = arith.constant 0 : i32
    %c0_i32_0 = arith.constant 0 : i32
    %c0_i32_1 = arith.constant 0 : i32
    %c0_i32_2 = arith.constant 0 : i32
    return %c0_i32, %c0_i32_0, %c0_i32_1 : i32, i32, i32
  }
  func.func @transform_4(%arg0: i32) -> (i32, i32, i32) {
    %c0_i32 = arith.constant 0 : i32
    %c0_i32_0 = arith.constant 0 : i32
    %c0_i32_1 = arith.constant 0 : i32
    return %arg0, %c0_i32, %c0_i32_0 : i32, i32, i32
  }
  func.func @transform_5(%arg0: i32) -> (i32, i32, i32) {
    %c0_i32 = arith.constant 0 : i32
    %c0_i32_0 = arith.constant 0 : i32
    %c0_i32_1 = arith.constant 0 : i32
    return %arg0, %c0_i32, %c0_i32_0 : i32, i32, i32
  }
}

module attributes {stable_mosaic.version = 14 : i64} {
  func.func @_head_body(%arg0: memref<256x3584xf32, #tpu.memory_space<vmem>>, %arg1: memref<256x256xf32, #tpu.memory_space<vmem>>, %arg2: memref<3584x256xf32, #tpu.memory_space<vmem>>, %arg3: memref<256x256xf32, #tpu.memory_space<vmem>>, %arg4: memref<1x256xf32, #tpu.memory_space<vmem>>, %arg5: memref<1x256xf32, #tpu.memory_space<vmem>>, %arg6: memref<1x256xf32, #tpu.memory_space<vmem>>, %arg7: memref<256x128xf32, #tpu.memory_space<vmem>>, %arg8: memref<1x128xf32, #tpu.memory_space<vmem>>, %arg9: memref<256x128xf32, #tpu.memory_space<vmem>>) attributes {dimension_semantics = [], scalar_prefetch = 0 : i64, scratch_operands = 0 : i64, tpu.core_type = #tpu.core_type<tc>} {
    %get3A = arith.constant 0 : index
    %get3A_0 = arith.constant 0 : index
    %get3A_1 = vector.load %arg0[%get3A, %get3A_0] : memref<256x3584xf32, #tpu.memory_space<vmem>>, vector<256x3584xf32>
    %max3A = arith.constant 0.000000e+00 : f32
    %max3A_2 = vector.broadcast %max3A : f32 to vector<256x3584xf32>
    %max3A_3 = arith.maximumf %get3A_1, %max3A_2 : vector<256x3584xf32>
    %get3A_4 = arith.constant 0 : index
    %get3A_5 = arith.constant 0 : index
    %get3A_6 = vector.load %arg1[%get3A_4, %get3A_5] : memref<256x256xf32, #tpu.memory_space<vmem>>, vector<256x256xf32>
    %concatenate3A = tpu.concatenate %max3A_3, %get3A_6 in 1 : vector<256x3584xf32>, vector<256x256xf32> -> vector<256x3840xf32>
    %get3A_7 = arith.constant 0 : index
    %get3A_8 = arith.constant 0 : index
    %get3A_9 = vector.load %arg2[%get3A_7, %get3A_8] : memref<3584x256xf32, #tpu.memory_space<vmem>>, vector<3584x256xf32>
    %get3A_10 = arith.constant 0 : index
    %get3A_11 = arith.constant 0 : index
    %get3A_12 = vector.load %arg3[%get3A_10, %get3A_11] : memref<256x256xf32, #tpu.memory_space<vmem>>, vector<256x256xf32>
    %concatenate3A_13 = tpu.concatenate %get3A_9, %get3A_12 in 0 : vector<3584x256xf32>, vector<256x256xf32> -> vector<3840x256xf32>
    %dot_general3A = arith.constant dense<0.000000e+00> : vector<256x256xf32>
    %dot_general3A_14 = tpu.matmul %concatenate3A, %concatenate3A_13, %dot_general3A {dimension_numbers = #tpu.dot_dimension_numbers<[1], [0], [0], [1], [0, 0, 1, 1], [], []>, transpose_lhs_hint = false} : vector<256x3840xf32>, vector<3840x256xf32>, vector<256x256xf32> -> vector<256x256xf32>
    %get3A_15 = arith.constant 0 : index
    %get3A_16 = arith.constant 0 : index
    %get3A_17 = vector.load %arg4[%get3A_15, %get3A_16] : memref<1x256xf32, #tpu.memory_space<vmem>>, vector<1x256xf32>
    %add3A = vector.broadcast %get3A_17 : vector<1x256xf32> to vector<256x256xf32>
    %add3A_18 = arith.addf %dot_general3A_14, %add3A : vector<256x256xf32>
    %max3A_19 = arith.constant 0.000000e+00 : f32
    %max3A_20 = vector.broadcast %max3A_19 : f32 to vector<256x256xf32>
    %max3A_21 = arith.maximumf %add3A_18, %max3A_20 : vector<256x256xf32>
    %reduce_sum3A = arith.constant dense<0.000000e+00> : vector<256xf32>
    %reduce_sum3A_22 = vector.multi_reduction <add>, %max3A_21, %reduce_sum3A [0] : vector<256x256xf32> to vector<256xf32>
    %broadcast_in_dim3A = vector.shape_cast %reduce_sum3A_22 : vector<256xf32> to vector<1x256xf32>
    %div3A = arith.constant 2.560000e+02 : f32
    %div3A_23 = vector.broadcast %div3A : f32 to vector<1x256xf32>
    %div3A_24 = arith.divf %broadcast_in_dim3A, %div3A_23 : vector<1x256xf32>
    %sub3A = vector.broadcast %div3A_24 : vector<1x256xf32> to vector<256x256xf32>
    %sub3A_25 = arith.subf %max3A_21, %sub3A : vector<256x256xf32>
    %integer_pow3A = arith.mulf %sub3A_25, %sub3A_25 : vector<256x256xf32>
    %reduce_sum3A_26 = arith.constant dense<0.000000e+00> : vector<256xf32>
    %reduce_sum3A_27 = vector.multi_reduction <add>, %integer_pow3A, %reduce_sum3A_26 [0] : vector<256x256xf32> to vector<256xf32>
    %broadcast_in_dim3A_28 = vector.shape_cast %reduce_sum3A_27 : vector<256xf32> to vector<1x256xf32>
    %div3A_29 = arith.constant 2.560000e+02 : f32
    %div3A_30 = vector.broadcast %div3A_29 : f32 to vector<1x256xf32>
    %div3A_31 = arith.divf %broadcast_in_dim3A_28, %div3A_30 : vector<1x256xf32>
    %sub3A_32 = vector.broadcast %div3A_24 : vector<1x256xf32> to vector<256x256xf32>
    %sub3A_33 = arith.subf %max3A_21, %sub3A_32 : vector<256x256xf32>
    %add3A_34 = arith.constant 9.99999974E-6 : f32
    %add3A_35 = vector.broadcast %add3A_34 : f32 to vector<1x256xf32>
    %add3A_36 = arith.addf %div3A_31, %add3A_35 : vector<1x256xf32>
    %rsqrt3A = math.rsqrt %add3A_36 : vector<1x256xf32>
    %mul3A = vector.broadcast %rsqrt3A : vector<1x256xf32> to vector<256x256xf32>
    %mul3A_37 = arith.mulf %sub3A_33, %mul3A : vector<256x256xf32>
    %get3A_38 = arith.constant 0 : index
    %get3A_39 = arith.constant 0 : index
    %get3A_40 = vector.load %arg5[%get3A_38, %get3A_39] : memref<1x256xf32, #tpu.memory_space<vmem>>, vector<1x256xf32>
    %mul3A_41 = vector.broadcast %get3A_40 : vector<1x256xf32> to vector<256x256xf32>
    %mul3A_42 = arith.mulf %mul3A_37, %mul3A_41 : vector<256x256xf32>
    %get3A_43 = arith.constant 0 : index
    %get3A_44 = arith.constant 0 : index
    %get3A_45 = vector.load %arg6[%get3A_43, %get3A_44] : memref<1x256xf32, #tpu.memory_space<vmem>>, vector<1x256xf32>
    %add3A_46 = vector.broadcast %get3A_45 : vector<1x256xf32> to vector<256x256xf32>
    %add3A_47 = arith.addf %mul3A_42, %add3A_46 : vector<256x256xf32>
    %get3A_48 = arith.constant 0 : index
    %get3A_49 = arith.constant 0 : index
    %get3A_50 = vector.load %arg7[%get3A_48, %get3A_49] : memref<256x128xf32, #tpu.memory_space<vmem>>, vector<256x128xf32>
    %dot_general3A_51 = arith.constant dense<0.000000e+00> : vector<256x128xf32>
    %dot_general3A_52 = tpu.matmul %add3A_47, %get3A_50, %dot_general3A_51 {dimension_numbers = #tpu.dot_dimension_numbers<[1], [0], [0], [1], [0, 0, 1, 1], [], []>, transpose_lhs_hint = false} : vector<256x256xf32>, vector<256x128xf32>, vector<256x128xf32> -> vector<256x128xf32>
    %get3A_53 = arith.constant 0 : index
    %get3A_54 = arith.constant 0 : index
    %get3A_55 = vector.load %arg8[%get3A_53, %get3A_54] : memref<1x128xf32, #tpu.memory_space<vmem>>, vector<1x128xf32>
    %add3A_56 = vector.broadcast %get3A_55 : vector<1x128xf32> to vector<256x128xf32>
    %add3A_57 = arith.addf %dot_general3A_52, %add3A_56 : vector<256x128xf32>
    %swap3A = arith.constant 0 : index
    %swap3A_58 = arith.constant 0 : index
    %swap3A_59 = vector.load %arg9[%swap3A, %swap3A_58] : memref<256x128xf32, #tpu.memory_space<vmem>>, vector<256x128xf32>
    tpu.vector_store %arg9[%swap3A, %swap3A_58], %add3A_57 {strides = array<i32>} : memref<256x128xf32, #tpu.memory_space<vmem>>, vector<256x128xf32>,
    return
  }
}

</mosaic_0001>

<sc_bundles>
// kernel: kernel.5.cloned.1.call-start
scs
__scs_entry_jumppad:
0x0: {  	(pc) =	sbr.rel $0x88, $3  }
0x1: {  	(tag) =	ssettag $0x0;
	lr =	simm.s32 $0x1  }
0x2: {  	[smem:$0x3F97] =	sst lr;
	_ =	strace $0xD0000000  }
0x3: {  	_ = 	snop  }
0x4: {  	_ = 	snop  }
0x5: {  	_ = 	snop  }
0x6: {  	_ = 	snop  }
0x7: {  	_ = 	snop  }
__scs_overlays_trampoline_lowered:
0x8: {  	[smem:$0x3FA6] =	sst s0  }
0x9: {  	[smem:$0x3FA7] =	sst s1  }
0xa: {  	[smem:$0x3FA8] =	sst s2  }
0xb: {  	[smem:$0x3FA9] =	sst s3  }
0xc: {  	[smem:$0x3FAA] =	sst s4  }
0xd: {  	[smem:$0x3FAB] =	sst s5  }
0xe: {  	[smem:$0x3FAC] =	sst s6  }
0xf: {  	[smem:$0x3FAD] =	sst s7  }
0x10: {  	[smem:$0x3FAE] =	sst s8  }
0x11: {  	[smem:$0x3FAF] =	sst s9;
	s0 =	simm.s32 @!p0 $0x0  }
0x12: {  	s1 =	sld [smem:$0x3F95];
	s0 =	simm.s32 @p0 $0x1  }
0x13: {  	[smem:$0x3FB0] =	sst s0;
	s0 =	simm.s32 @!p1 $0x0  }
0x14: {  	s2 =	sld [smem:$0x3F94];
	s0 =	simm.s32 @p1 $0x1  }
0x15: {  	[smem:$0x3FB1] =	sst s0;
	s0 =	simm.s32 @!p2 $0x0  }
0x16: {  	s3 =	sld [smem:$0x3FDB];
	s0 =	simm.s32 @p2 $0x1  }
0x17: {  	s4 =	simm.s32 $0x1BF5;
	[smem:$0x3FB3] =	sst s0  }
0x18: {  	s0 =	sld [smem:$0x3F96];
	_ =	swait.ge [sflag:s4], $0x0  }
0x19: {  	s7 =	sld [smem:$0x3F97]  }
0x1a: {  	s8 =	sadd.s32 $0xFFFFE003, lr  }
0x1b: {  	s9 =	sadd.s32 $0xFFFFFEF7, lr;
	s5 =	simm.s32 $0xFFFFFFFF;
	p2 =	slt.u32 s8, $0xFFFFF086  }
0x1c: {  	p1 =	slt.u32 s9, $0xF7A;
	s5 =	simm.s32 @!p2 $0x0  }
0x1d: {  	s5 =	simm.s32 @p1 $0x1;
	p0 =	seq.s32 s7, s2  }
0x1e: {  	s7 =	smul.u32 @!p0 $0xF7A, s2;
	p2 =	seq.s32 @!p0 s5, $0x0  }
0x1f: {  	s9 =	smul.u32 $0xF7A, s1;
	s8 =	simm.s32 @!p0 $0x1BF5;
	p2 =	por !p2, p0  }
0x20: {  	[sflag:s8] =	ssyncset.s32 @!p0 $0xFFFFF086;
	s6 =	sadd.s32 @!p0 s3, s7;
	s7 =	simm.s32 @!p0 $0x108  }
0x21: {  	s3 =	sadd.s32 s3, s9;
	s6 =	sadd.s32 @!p0 $0x88, s6;
	s7 =	simm.s32 @p2 $0x1082  }
0x22: {  	[simem:s7], [sflag:s8] =	dma.local @!p0 [hbm:s6], $0xF7A  }
0x23: {  	s9 =	sor.u32 $0xD0000000, s2;
	s6 =	simm.s32 $0x108;
	_ =	swait.ge @!p0 [sflag:s8], $0x0  }
0x24: {  	s3 =	sadd.s32 $0x88, s3;
	s6 =	simm.s32 @!p1 $0x1082;
	[sflag:s4] =	ssyncset.s32 $0xFFFFF086  }
0x25: {  	[simem:s6], [sflag:s4] =	dma.local [hbm:s3], $0xF7A  }
0x26: {  	[smem:$0x3F97] =	sst s1;
	(tag) =	ssettag s2;
	_ =	strace s9  }
0x27: {  	s1 =	sld [smem:$0x3FA7]  }
0x28: {  	s2 =	sld [smem:$0x3FA8]  }
0x29: {  	s4 =	sld [smem:$0x3FAA]  }
0x2a: {  	p0 =	seq.s32 s5, $0x0;
	s5 =	sld [smem:$0x3FAB]  }
0x2b: {  	s6 =	sld [smem:$0x3FAC]  }
0x2c: {  	s7 =	sld [smem:$0x3FAD]  }
0x2d: {  	s3 =	simm.s32 $0x108;
	s8 =	sld [smem:$0x3FAE]  }
0x2e: {  	s3 =	simm.s32 @!p0 $0x1082;
	s9 =	sld [smem:$0x3FAF]  }
0x2f: {  	lr =	sadd.s32 s0, s3;
	s0 =	sld [smem:$0x3FA6]  }
0x30: {  	s3 =	sld [smem:$0x3FA9]  }
0x31: {  	[smem:$0x3FB2] =	sst s10  }
0x32: {  	s10 =	sld [smem:$0x3FB0];
	_ =	sdelay $0x3  }
0x33: {  	p0 =	seq.s32 s10, $0x1;
	s10 =	sld [smem:$0x3FB2];
	_ =	sdelay $0x3  }
0x34: {  	[smem:$0x3FB2] =	sst s10  }
0x35: {  	s10 =	sld [smem:$0x3FB1];
	_ =	sdelay $0x3  }
0x36: {  	p1 =	seq.s32 s10, $0x1;
	s10 =	sld [smem:$0x3FB2];
	_ =	sdelay $0x3  }
0x37: {  	[smem:$0x3FB2] =	sst s10  }
0x38: {  	s10 =	sld [smem:$0x3FB3]  }
0x39: {  	_ = 	snop;
	(pc) =	sbr.ind lr, $3  }
0x3a: {  	_ = 	snop  }
0x3b: {  	_ = 	snop  }
0x3c: {  	p2 =	seq.s32 s10, $0x1;
	s10 =	sld [smem:$0x3FB2]  }
0x3d: {  	_ =	shalt  }
0x3e: {  	_ =	shalt  }
0x3f: {  	_ =	shalt  }
0x40: {  	_ =	shalt  }
0x41: {  	_ =	shalt  }
0x42: {  	_ =	shalt  }
0x43: {  	_ =	shalt  }
0x44: {  	_ =	shalt  }
0x45: {  	_ =	shalt  }
0x46: {  	_ =	shalt  }
0x47: {  	_ =	shalt  }
0x48: {  	_ =	shalt  }
0x49: {  	_ =	shalt  }
0x4a: {  	_ =	shalt  }
0x4b: {  	_ =	shalt  }
0x4c: {  	_ =	shalt  }
0x4d: {  	_ =	shalt  }
0x4e: {  	_ =	shalt  }
0x4f: {  	_ =	shalt  }
0x50: {  	_ =	shalt  }
0x51: {  	_ =	shalt  }
0x52: {  	_ =	shalt  }
0x53: {  	_ =	shalt  }
0x54: {  	_ =	shalt  }
0x55: {  	_ =	shalt  }
0x56: {  	_ =	shalt  }
0x57: {  	_ =	shalt  }
0x58: {  	_ =	shalt  }
0x59: {  	_ =	shalt  }
0x5a: {  	_ =	shalt  }
0x5b: {  	_ =	shalt  }
0x5c: {  	_ =	shalt  }
0x5d: {  	_ =	shalt  }
0x5e: {  	_ =	shalt  }
0x5f: {  	_ =	shalt  }
0x60: {  	_ =	shalt  }
0x61: {  	_ =	shalt  }
0x62: {  	_ =	shalt  }
0x63: {  	_ =	shalt  }
0x64: {  	_ =	shalt  }
0x65: {  	_ =	shalt  }
0x66: {  	_ =	shalt  }
0x67: {  	_ =	shalt  }
0x68: {  	_ =	shalt  }
0x69: {  	_ =	shalt  }
0x6a: {  	_ =	shalt  }
0x6b: {  	_ =	shalt  }
0x6c: {  	_ =	shalt  }
0x6d: {  	_ =	shalt  }
0x6e: {  	_ =	shalt  }
0x6f: {  	_ =	shalt  }
0x70: {  	_ =	shalt  }
0x71: {  	_ =	shalt  }
0x72: {  	_ =	shalt  }
0x73: {  	_ =	shalt  }
0x74: {  	_ =	shalt  }
0x75: {  	_ =	shalt  }
0x76: {  	_ =	shalt  }
0x77: {  	_ =	shalt  }
0x78: {  	_ =	shalt  }
0x79: {  	_ =	shalt  }
0x7a: {  	_ =	shalt  }
0x7b: {  	_ =	shalt  }
0x7c: {  	_ =	shalt  }
0x7d: {  	_ =	shalt  }
0x7e: {  	_ =	shalt  }
0x7f: {  	_ =	shalt  }
0x80: {  	_ =	shalt  }
0x81: {  	_ =	shalt  }
0x82: {  	_ =	shalt  }
0x83: {  	_ =	shalt  }
0x84: {  	_ =	shalt  }
0x85: {  	_ =	shalt  }
0x86: {  	_ =	shalt  }
0x87: {  	_ =	shalt  }
.Lfunc_end0:
.L_simem_size_0:
called_computation_lowered:
.L_overlay_start_0:
0x88: {  	s2 =	sld [smem:$0x3FD9]  }
0x89: {  	s3 =	sld [smem:$0x3FFE];
	_ =	sdelay $0x1  }
0x8a: {  	s1 =	srdreg.scid  }
0x8b: {  	s0 =	sand.u32 $0x1, s1  }
0x8c: {  	s16 =	sshll.u32 s0, $0xA;
	s2 =	sadd.s32 s3, s2  }
0x8d: {  	s2 =	sadd.s32 s2, s16  }
0x8e: {  	[smem:$0x3FBE] =	sst s2  }
0x8f: {  	_ = 	snop  }
0x90: {  	(tm) =	ssettm $0x1  }
0x91: {  	s17 =	sld [smem:$0x3FFB];
	_ =	sdelay $0x3  }
0x92: {  	_ =	strace s17  }
0x93: {  	s2 =	sld [smem:$0x3FFC];
	_ =	sdelay $0x3  }
0x94: {  	_ =	strace s2  }
0x95: {  	s2 =	sld [smem:$0x3FFD];
	_ =	sdelay $0x3  }
0x96: {  	_ =	strace s2  }
0x97: {  	_ =	strace $0x8FFFFFFF  }
0x98: {  	s18 =	sld [smem:$0x3FDB];
	_ =	sdelay $0x1  }
0x99: {  	s19 =	simm.s32 $_scs_section_size  }
0x9a: {  	s4 =	simm.s32 $_size__tile_overlayer_lowered;
	s5 =	simm.s32 $_tile_overlayer_lowered  }
0x9b: {  	s22 =	simm.s32 $0x1BFF;
	s21 =	sshll.u32 s5, $0x1;
	s2 =	sadd.s32 s19, s18  }
0x9c: {  	s6 =	simm.s32 $0x0;
	s20 =	sshll.u32 s4, $0x1;
	s4 =	sadd.s32 s21, s2  }
0x9d: {  	[timem:s6], [sflag:s22] =	dma.local [hbm:s4], s20  }
0x9e: {  	_ =	swait.ge [sflag:s22], s20  }
0x9f: {  	s3 =	ssub.s32 $0x0, s20;
	[sflag:s22] =	ssyncset.done $0x0  }
0xa0: {  	[sflag:s22] =	ssyncadd.s32 s3;
	_ =	sdelay $0x1  }
0xa1: {  	s23 =	simm.s32 $0x1B8B  }
0xa2: {  	_ =	swait.ge [sflag:s23], $0x1  }
0xa3: {  	[sflag:s23] =	ssyncset.done $0x0  }
0xa4: {  	s25 =	simm.s32 $0x1B8E;
	s24 =	sld [smem:$0x3FFE];
	[sflag:s23] =	ssyncadd.s32 $0xFFFFFFFF  }
0xa5: {  	s26 =	simm.s32 $execute0_lowered;
	[smem:$0x3FD2] =	sst s25  }
0xa6: {  	s4 =	sshll.u32 s26, $0x1;
	_ =	strace $0x80000046;
	[dreg:$0x1] =	wrdreg $0xFFFFFFFF  }
0xa7: {  	s28 =	simm.s32 $_size_execute0_lowered;
	s2 =	sadd.s32 s2, s4;
	[dreg:$0x0] =	wrdreg $0x0  }
0xa8: {  	s4 =	sshll.u32 s28, $0x1;
	[dreg:$0x2] =	wrdreg s2  }
0xa9: {  	[dreg:$0x3] =	wrdreg s4  }
0xaa: {  	[dreg:$0x4] =	wrdreg $0xC0  }
0xab: {  	_ =	task [dreg:s6], $0x5FFFF  }
0xac: {  	[dreg:$0x1] =	wrdreg $0xFFFFFFFF  }
0xad: {  	[dreg:$0x0] =	wrdreg $0x60  }
0xae: {  	[dreg:$0x2] =	wrdreg s24  }
0xaf: {  	[dreg:$0x3] =	wrdreg $0x9  }
0xb0: {  	_ =	task.clear_ibuf [dreg:s6], $0x4FFFF;
	_ =	strace $0x90000046  }
0xb1: {  	s29 =	simm.s32 $0x9;
	_ =	strace $0x80000048  }
0xb2: {  	_ =	swait.ge [sflag:s29], $0x1  }
0xb3: {  	[sflag:s29] =	ssyncadd.s32 $0xFFFFFFFF  }
0xb4: {  	_ =	strace $0x90000048  }
0xb5: {  	_ =	sfence  }
0xb6: {  	s30 =	sld [smem:$0x0];
	_ =	sdelay $0x2  }
0xb7: {  	s31 =	sshll.u32 s1, $0xD;
	s1 =	sshrl.u32 s1, $0x2  }
0xb8: {  	s3 =	sand.u32 $0x4000, s31;
	s1 =	sadd.s32 s1, s30  }
0xb9: {  	s0 =	sor.u32 s3, s0;
	s1 =	sshll.u32 s1, $0x11  }
0xba: {  	s0 =	sor.u32 s1, s0  }
0xbb: {  	s0 =	sadd.s32 $0x8F2B, s0  }
0xbc: {  	[sflag:s0] =	ssyncadd.remote.s32 $0x1  }
0xbd: {  	_ =	sfence.sel $0xFFFF  }
0xbe: {  	[dreg:$0x0] =	wrdreg $0xFFFFFFFF;
	(pc) =	sbr.abs _section_cstart, $3  }
0xbf: {  	[dreg:$0x1] =	wrdreg $0xFFFFFFFF  }
0xc0: {  	_ =	task.clear_ibuf [dreg:s6], $0x2FFFF;
	_ =	strace $0x9FFFFFFF  }
0xc1: {  	(tm) =	ssettm $0x7FFFFFFF  }
tec
execute0_lowered:
.L_overlay_start_1:
0x0: {  	(tag) =	ssettag $0x1  }
0x1: {  	s6 =	rddreg [dreg:$0x0]  }
0x2: {  	s0 =	rddreg [dreg:$0x1];
	s2 =	simm.s32 $0x0  }
0x3: {  	s3 =	srdreg.scid;
	s1 =	stileid.u32;
	s9 =	simm.s32 $0x80  }
0x4: {  	s10 =	simm.s32 $0x400;
	s11 =	simm.s32 $0x1;
	s12 =	simm.s32 $0x700  }
0x5: {  	s13 =	simm.s32 $0xE00;
	s14 =	simm.s32 $0x0;
	s18 =	simm.s32 $0x0  }
0x6: {  	[smem:$0x7FF] =	sst s2;
	s3 =	sand.u32 $0x1, s3;
	s4 =	sshll.u32 s1, $0x4  }
0x7: {  	_ =	strace $0x80000047;
	s7 =	ssub.s32 $0x2, s3;
	s5 =	sshll.u32 s3, $0x3  }
0x8: {  	s3 =	sadd.s32 $0xF800, s6;
	s8 =	sshrl.u32 s7, $0x1;
	s4 =	sor.u32 s5, s4  }
0x9: {  	s5 =	sadd.s32 $0x1800, s6;
	s8 =	ssub.s32 s7, s8;
	s31 =	sshrl.u32 s4, $0x3  }
0xa: {  	v0 =	vimm.f32 $0.0e+00;
	v1 =	vimm.f32 $1.000000000e+00;
	s6 =	sadd.s32 $0x1D800, s6;
	s7 =	smul.u32 $0x3800, s31;
	s8 =	smax.u32 s8, $0x1  }
.LBB2_1:
0xb: {  	s15 =	simm.s32 $0x0  }
.LBB2_2:
0xc: {  	s16 =	simm.s32 $0x0;
	s17 =	simm.s32 $0x200  }
.LBB2_3:
0xd: {  	p0 =	sne.s32 s17, $0xDC00;
	[tilespmem:s16+$0xE60] =	vst v0  }
0xe: {  	[tilespmem:s16+$0xE00] =	vst v0  }
.Ltmp0:
0xf: {  	[tilespmem:s16+$0xE10] =	vst v0;
	(pc) =	sbr.rel @p0 .LBB2_3-.Ltmp0, $4  }
0x10: {  	[tilespmem:s16+$0xE20] =	vst v0  }
0x11: {  	[tilespmem:s16+$0xE30] =	vst v0  }
0x12: {  	[tilespmem:s16+$0xE40] =	vst v0  }
0x13: {  	[tilespmem:s16+$0xE50] =	vst v0;
	s16 =	sshra.s32 s17, $0x2;
	s17 =	sadd.s32 $0x200, s17  }
0x14: {  	[tilespmem:s16+$0xE60] =	vst v0  }
0x15: {  	[tilespmem:s16+$0xE00] =	vst v0  }
0x16: {  	[tilespmem:s16+$0xE10] =	vst v0  }
0x17: {  	[tilespmem:s16+$0xE20] =	vst v0;
	s17 =	sshll.u32 s15, $0x7  }
0x18: {  	[tilespmem:s16+$0xE30] =	vst v0;
	s17 =	sadd.s32 s7, s17  }
0x19: {  	[tilespmem:s16+$0xE40] =	vst v0;
	s17 =	sshrl.u32 s17, $0x3  }
0x1a: {  	[tilespmem:s16+$0xE50] =	vst v0;
	s30 =	sadd.s32 s3, s17  }
0x1b: {  	[tilespmem:s18], [sflag:$0x1] =	stream.strided.gather [hbm4b:s30+s9], $0x700, s10, s9, $0x38;
	[tilespmem:$0x4600] =	vst v63  }
0x1c: {  	_ =	swait.ge [sflag:s11], $0x700  }
0x1d: {  	[sflag:s11] =	ssyncset.done $0x0  }
0x1e: {  	s31 =	sadd.s32 s5, s17;
	[sflag:s11] =	ssyncadd.s32 $0xFFFFF900  }
0x1f: {  	[tilespmem:s12], [sflag:$0x1] =	stream.strided.gather [hbm4b:s31+s9], $0x700, s10, s9, $0x38;
	[tilespmem:$0x4600] =	vst v63  }
0x20: {  	_ =	swait.ge [sflag:s11], $0x700  }
0x21: {  	[sflag:s11] =	ssyncset.done $0x0  }
0x22: {  	s17 =	simm.s32 $0x0;
	[sflag:s11] =	ssyncadd.s32 $0xFFFFF900  }
0x23: {  	s16 =	simm.s32 $0x40;
	v2 =	vld [tilespmem:s17+$0x700]  }
.LBB2_5:
0x24: {  	p0 =	sne.s32 s16, $0x1B80;
	v3 =	vld [tilespmem:s17+$0x0];
	_ =	sdelay $0x4  }
0x25: {  	v2 =	vshll.u32 v2, $0x7;
	v4 =	vand.u32 $0xFFFFFF80, v3  }
0x26: {  	v3 =	vand.u32 $0x7F, v3;
	v2 =	vadd.s32 v4, v2  }
0x27: {  	v2 =	vor.u32 v3, v2;
	_ =	sdelay $0x1  }
.Ltmp1:
0x28: {  	(pc) =	sbr.rel @p0 .LBB2_5-.Ltmp1, $3  }
0x29: {  	_ =	sdelay $0x1  }
0x2a: {  	s17 =	sshra.s32 s16, $0x2;
	[tilespmem:v2+s13+$0x0] =	vst.idx.add.f32.msk $0xffff, v1  }
0x2b: {  	s16 =	sadd.s32 $0x40, s16;
	v2 =	vld [tilespmem:s17+$0x700]  }
0x2c: {  	v3 =	vld [tilespmem:s17+$0x0];
	_ =	sdelay $0x4  }
0x2d: {  	v2 =	vshll.u32 v2, $0x7;
	v4 =	vand.u32 $0xFFFFFF80, v3  }
0x2e: {  	v3 =	vand.u32 $0x7F, v3;
	v2 =	vadd.s32 v4, v2  }
0x2f: {  	v2 =	vor.u32 v3, v2;
	_ =	sdelay $0x1  }
0x30: {  	s16 =	sadd.s32 s4, s15  }
0x31: {  	s15 =	sadd.s32 $0x1, s15;
	s16 =	smul.u32 $0x700, s16  }
0x32: {  	p0 =	sne.s32 s15, $0x8  }
.Ltmp2:
0x33: {  	s16 =	sadd.s32 s6, s16;
	[tilespmem:v2+s13+$0x0] =	vst.idx.add.f32.msk $0xffff, v1;
	(pc) =	sbr.rel @p0 .LBB2_2-.Ltmp2, $4  }
0x34: {  	[hbm4b:s16+s2] =	stream.linear.scatter [tilespmem:s13], [sflag:$0x1], $0x3780, $0x38;
	[tilespmem:$0x4600] =	vst v63  }
0x35: {  	_ =	swait.ge [sflag:s11], $0x3780  }
0x36: {  	[sflag:s11] =	ssyncset.done $0x0  }
0x37: {  	[sflag:s11] =	ssyncadd.s32 $0xFFFFC880  }
0x38: {  	s14 =	sadd.s32 $0x1, s14  }
0x39: {  	p0 =	sne.s32 s14, s8  }
.Ltmp3:
0x3a: {  	_ = 	snop;
	(pc) =	sbr.rel @p0 .LBB2_1-.Ltmp3, $1  }
0x3b: {  	_ =	sdelay $0x3  }
0x3c: {  	_ =	sfence.sel $0x180000  }
0x3d: {  	[bflag:$0x0] =	sbarrier.arrive $0xFFFF  }
0x3e: {  	p0 =	sne.s32 s1, $0x0;
	_ =	strace $0x90000047  }
0x3f: {  	s0 =	sadd.s32 @!p0 $0x100000, s0;
	[bflag:$0x2] =	sbarrier.arrive $0xFFFF  }
0x40: {  	[sflag:s0] =	ssyncadd.tile.s32 @!p0 $0x1;
	_ =	shalt  }
.Lfunc_end2:
_tile_overlayer_lowered:
.L_overlay_start_2:
0x41: {  	(tag) =	ssettag $0x2  }
0x42: {  	s0 =	rddreg [dreg:$0x0];
	s2 =	stileid.u32  }
0x43: {  	s1 =	rddreg [dreg:$0x1];
	p0 =	sne.s32 s2, $0x0  }
0x44: {  	s3 =	rddreg [dreg:$0x2];
	[bflag:$0x3] =	sbarrier.arrive $0xFFFF;
	s2 =	simm.s32 @!p0 $0x1C01  }
0x45: {  	[timem:s3], [sflag:s2] =	dma.local @!p0 [hbm:s0], s1  }
0x46: {  	s0 =	simm.s32 @!p0 $0x1  }
0x47: {  	_ =	swait.ge @!p0 [sflag:s0], s1  }
0x48: {  	s1 =	ssub.s32 @!p0 $0x0, s1;
	[sflag:s0] =	ssyncset.done @!p0 $0x0  }
0x49: {  	[sflag:s0] =	ssyncadd.s32 @!p0 s1  }
0x4a: {  	[bflag:$0x3] =	sbarrier.arrive $0xFFFF  }
0x4b: {  	_ =	shalt  }

</sc_bundles>
